<compile_context>
chip_gen: v7x
topology: tpu7x:2x2x1
jax: 0.10.2.dev20260603
libtpu: 0.0.44.dev20260713+nightly
codegen_flags: <defaults>
</compile_context>

<pallas_src>
import functools

import jax
import jax.numpy as jnp
from jax import lax
from jax.experimental import pallas as pl
from jax.experimental.pallas import tpu as pltpu
from jax.experimental.pallas import tpu_sc as plsc


_TN = 2048
_TSUB = 1024


def _fold_tree(vals, idxs):
    while len(vals) > 1:
        nv, ni = [], []
        for p in range(0, len(vals), 2):
            vl, vr = vals[p], vals[p + 1]
            il, ir = idxs[p], idxs[p + 1]
            take_r = vr > vl
            nv.append(jnp.maximum(vl, vr))
            ni.append(jnp.where(take_r, ir, il))
        vals, idxs = nv, ni
    return vals[0], idxs[0]


def _argmax_body(x_ref, e_ref, idx_ref, en_s):
    c = e_ref.shape[0]

    @pl.when(pl.program_id(0) == 0)
    def _():
        e = e_ref[...]
        en_s[...] = e / jnp.clip(
            jnp.sqrt(jnp.sum(e * e, axis=-1, keepdims=True)), 1e-12, None)

    xb = x_ref[...]
    xn = xb / jnp.clip(
        jnp.sqrt(jnp.sum(xb * xb, axis=-1, keepdims=True)), 1e-12, None)

    pvals, pidxs = [], []
    for t in range(c // _TSUB):
        en = en_s[pl.ds(t * _TSUB, _TSUB), :]
        dist = lax.dot_general(
            xn, en, (((1,), (1,)), ((), ())),
            preferred_element_type=jnp.float32)
        vals = [dist[:, s * 128:(s + 1) * 128] for s in range(_TSUB // 128)]
        idxs = [jnp.full((_TN, 128), t * _TSUB + s * 128, jnp.int32)
                for s in range(_TSUB // 128)]
        v, ix = _fold_tree(vals, idxs)
        pvals.append(v)
        pidxs.append(ix)

    v, ix = _fold_tree(pvals, pidxs)
    rowmax = jnp.max(v, axis=-1)
    cidx = ix + lax.broadcasted_iota(jnp.int32, ix.shape, 1)
    cand = jnp.where(v == rowmax[:, None], cidx, jnp.int32(2**30))
    idx_ref[...] = jnp.min(cand, axis=-1).reshape(idx_ref.shape)


def _vq_argmax(x_flat, e):
    n, d = x_flat.shape
    c = e.shape[0]
    nb = n // _TN
    out = pl.pallas_call(
        _argmax_body,
        grid=(nb,),
        in_specs=[
            pl.BlockSpec((_TN, d), lambda i: (i, 0)),
            pl.BlockSpec((c, d), lambda i: (0, 0)),
        ],
        out_specs=pl.BlockSpec((_TN // 1024, 8, 128), lambda i: (i, 0, 0)),
        out_shape=jax.ShapeDtypeStruct((nb * (_TN // 1024), 8, 128), jnp.int32),
        scratch_shapes=[
            pltpu.VMEM((c, d), jnp.float32),
        ],
        compiler_params=pltpu.CompilerParams(
            dimension_semantics=("arbitrary",)),
    )(x_flat, e)
    return out



_NW = 32
_CH = 128


def _make_sc_gather(b, v, d):
    b_per_w = b // _NW
    n_ch = b_per_w // _CH
    mesh = plsc.VectorSubcoreMesh(core_axis_name="c", subcore_axis_name="s")

    @functools.partial(
        pl.kernel, mesh=mesh,
        out_type=jax.ShapeDtypeStruct((b, d), jnp.float32),
        scratch_types=[
            pltpu.VMEM((n_ch, _CH), jnp.int32),
            pltpu.VMEM((b_per_w, d), jnp.float32),
            pltpu.SemaphoreType.DMA,
        ],
        compiler_params=pltpu.CompilerParams(use_tc_tiling_on_sc=False),
    )
    def gather_k(idx_hbm, table_hbm, out_hbm, idx_v, rows_v, sem):
        wid = lax.axis_index("s") * 2 + lax.axis_index("c")
        base = wid * b_per_w
        pltpu.sync_copy(idx_hbm.at[wid], idx_v)
        copies = []
        for k in range(n_ch):
            copies.append(pltpu.async_copy(
                table_hbm.at[idx_v.at[k]],
                rows_v.at[pl.ds(k * _CH, _CH)], sem))
        for cp in copies:
            cp.wait()
        pltpu.sync_copy(rows_v, out_hbm.at[pl.ds(base, b_per_w)])

    return gather_k




def kernel(x, embed):
    xf = x.astype(jnp.float32)
    b0, b1, d = xf.shape
    c = embed.shape[1]
    n = b0 * b1

    x_flat = xf.reshape(n, d)
    e = embed.reshape(c, d)

    idx_tiles = _vq_argmax(x_flat, e)

    quant = _make_sc_gather(n, c, d)(idx_tiles, e)

    return quant.reshape(b0, b1, d), idx_tiles.reshape(n).reshape(b0, b1)

# --- scband reference (transcript-rebuilt; emitter-appended) ---
"""Pipeline reference for scband-vector-quantizer-48232482734187 (READ-ONLY COPY).

The authoritative reference and input builder live on the scoring server;
editing this copy changes nothing except your own understanding.
"""

import jax, jax.numpy as jnp
import numpy as np


def l2norm(t, eps=1e-12):
    n = jnp.linalg.norm(t, axis=-1, keepdims=True)
    return t / jnp.clip(n, eps, None)


def setup_inputs(seed: int = 0):
    key = jax.random.key(seed)
    k1, k2 = jax.random.split(key)
    x = jax.random.normal(k1, (32, 1024, 64), dtype=jnp.float32)
    # codebook: uniform init then l2-normalized, shape [num_codebooks, codebook_size, dim]
    embed = jax.random.uniform(k2, (1, 8192, 64), dtype=jnp.float32, minval=-1.0, maxval=1.0)
    embed = l2norm(embed)
    return {"x": x, "embed": embed}


def reference(x, embed):
    xf = x.astype(jnp.float32)
    needs_codebook_dim = xf.ndim < 4
    if needs_codebook_dim:
        xf = xf[None, ...]  # '... -> 1 ...'
    shape = xf.shape
    h, d = xf.shape[0], xf.shape[-1]
    flatten = xf.reshape(h, -1, d)  # 'h ... d -> h (...) d'
    flatten = l2norm(flatten)
    e = l2norm(embed)
    # dist = einsum('h n d, h c d -> h n c')
    dist = jnp.einsum('hnd,hcd->hnc', flatten, e)
    # gumbel_sample with temperature 0 -> argmax
    embed_ind = jnp.argmax(dist, axis=-1)
    embed_ind = embed_ind.reshape(shape[:-1])
    # batched_embedding: per-codebook gather from (non-normalized) embed
    def gather_one(eh, ih):
        flat = jnp.take(eh, ih.reshape(-1), axis=0)
        return flat.reshape(ih.shape + (eh.shape[-1],))
    quantize = jax.vmap(gather_one)(embed, embed_ind)
    if needs_codebook_dim:
        quantize = quantize[0]
        embed_ind = embed_ind[0]
    return (quantize, embed_ind)

if __name__ == "__main__":
    import jax
    _d = setup_inputs()
    print(jax.jit(kernel)(*tuple(_d.values())))

</pallas_src>

<mosaic_0001>
#map = affine_map<(d0, d1) -> (0, 0, 0)>
#map1 = affine_map<(d0, d1) -> (0, 0)>
module attributes {stable_mosaic.version = 14 : i64} {
  func.func @gather_k(%arg0: i32, %arg1: i32, %arg2: memref<32x8x128xi32, #tpu.memory_space<hbm>>, %arg3: memref<8192x64xf32, #tpu.memory_space<hbm>>, %arg4: memref<32768x64xf32, #tpu.memory_space<hbm>>, %arg5: memref<8x128xi32, #tpu.memory_space<vmem>>, %arg6: memref<1024x64xf32, #tpu.memory_space<vmem>>, %arg7: memref<!tpu.dma_semaphore, #tpu.memory_space<semaphore_mem>>) attributes {dimension_semantics = [#tpu.dimension_semantics<core_parallel>, #tpu.dimension_semantics<subcore_parallel>], iteration_bounds = array<i64: 2, 16>, scalar_prefetch = 0 : i64, scratch_operands = 3 : i64, tpu.core_type = #tpu.core_type<sc_vector_subcore>, window_params = [{transform_indices = #map}, {transform_indices = #map1}, {transform_indices = #map1}]} {
    %mul3A = arith.constant 2 : i32
    %mul3A_0 = arith.muli %arg1, %mul3A : i32
    %add3A = arith.addi %mul3A_0, %arg0 : i32
    %mul3A_1 = arith.constant 1024 : i32
    %mul3A_2 = arith.muli %add3A, %mul3A_1 : i32
    "tpu.region"() ({
      %run_scoped3A = tpu.sem_alloc : memref<!tpu.dma_semaphore, #tpu.memory_space<semaphore_mem>>
      %dma_start3A_161 = arith.constant 0 : i32
      %dma_start3A_162 = arith.constant 0 : i32
      %dma_start3A_163 = tpu.memref_slice %arg2[%add3A, %dma_start3A_161, %dma_start3A_162] : memref<32x8x128xi32, #tpu.memory_space<hbm>> -> memref<1x8x128xi32, #tpu.memory_space<hbm>>
      %dma_start3A_164 = tpu.memref_squeeze %dma_start3A_163 : memref<1x8x128xi32, #tpu.memory_space<hbm>> -> memref<8x128xi32, #tpu.memory_space<hbm>>
      %dma_start3A_165 = arith.constant 0 : i32
      %dma_start3A_166 = arith.constant 0 : i32
      %dma_start3A_167 = tpu.memref_slice %arg2[%add3A, %dma_start3A_165, %dma_start3A_166] : memref<32x8x128xi32, #tpu.memory_space<hbm>> -> memref<1x8x128xi32, #tpu.memory_space<hbm>>
      %dma_start3A_168 = tpu.memref_squeeze %dma_start3A_167 : memref<1x8x128xi32, #tpu.memory_space<hbm>> -> memref<8x128xi32, #tpu.memory_space<hbm>>
      tpu.enqueue_dma source(%dma_start3A_168 : memref<8x128xi32, #tpu.memory_space<hbm>>) target(%arg5 : memref<8x128xi32, #tpu.memory_space<vmem>>) target_semaphore(%run_scoped3A : memref<!tpu.dma_semaphore, #tpu.memory_space<semaphore_mem>>)
      %dma_wait3A_169 = arith.constant 0 : i32
      %dma_wait3A_170 = arith.constant 0 : i32
      %dma_wait3A_171 = tpu.memref_slice %arg2[%add3A, %dma_wait3A_169, %dma_wait3A_170] : memref<32x8x128xi32, #tpu.memory_space<hbm>> -> memref<1x8x128xi32, #tpu.memory_space<hbm>>
      %dma_wait3A_172 = tpu.memref_squeeze %dma_wait3A_171 : memref<1x8x128xi32, #tpu.memory_space<hbm>> -> memref<8x128xi32, #tpu.memory_space<hbm>>
      %dma_wait3A_173 = arith.constant 0 : i32
      %dma_wait3A_174 = arith.constant 0 : i32
      %dma_wait3A_175 = tpu.memref_slice %arg2[%add3A, %dma_wait3A_173, %dma_wait3A_174] : memref<32x8x128xi32, #tpu.memory_space<hbm>> -> memref<1x8x128xi32, #tpu.memory_space<hbm>>
      %dma_wait3A_176 = tpu.memref_squeeze %dma_wait3A_175 : memref<1x8x128xi32, #tpu.memory_space<hbm>> -> memref<8x128xi32, #tpu.memory_space<hbm>>
      tpu.wait_dma2 semaphore(%run_scoped3A : memref<!tpu.dma_semaphore, #tpu.memory_space<semaphore_mem>>) src(%dma_wait3A_176 : memref<8x128xi32, #tpu.memory_space<hbm>>) dst(%arg5 : memref<8x128xi32, #tpu.memory_space<vmem>>)
      tpu.yield
    }) : () -> ()
    %dma_start3A = arith.constant 0 : i32
    %dma_start3A_3 = arith.constant 0 : i32
    %dma_start3A_4 = arith.constant 0 : i32
    %dma_start3A_5 = tpu.memref_slice %arg6[%dma_start3A_3, %dma_start3A_4] : memref<1024x64xf32, #tpu.memory_space<vmem>> -> memref<128x64xf32, #tpu.memory_space<vmem>>
    %dma_start3A_6 = arith.constant 0 : i32
    %dma_start3A_7 = tpu.memref_slice %arg5[%dma_start3A, %dma_start3A_6] : memref<8x128xi32, #tpu.memory_space<vmem>> -> memref<1x128xi32, #tpu.memory_space<vmem>>
    %dma_start3A_8 = tpu.memref_squeeze %dma_start3A_7 : memref<1x128xi32, #tpu.memory_space<vmem>> -> memref<128xi32, #tpu.memory_space<vmem>>
    %dma_start3A_9 = arith.constant 0 : i32
    %dma_start3A_10 = arith.constant 0 : i32
    %dma_start3A_11 = tpu.memref_slice %arg3[%dma_start3A_9, %dma_start3A_10] : memref<8192x64xf32, #tpu.memory_space<hbm>> -> memref<8192x64xf32, #tpu.memory_space<hbm>>
    tpu.enqueue_indirect_dma source(%dma_start3A_11 : memref<8192x64xf32, #tpu.memory_space<hbm>>) target(%dma_start3A_5 : memref<128x64xf32, #tpu.memory_space<vmem>>) offsets(%dma_start3A_8 : memref<128xi32, #tpu.memory_space<vmem>>) semaphore(%arg7 : memref<!tpu.dma_semaphore, #tpu.memory_space<semaphore_mem>>)
    %dma_start3A_12 = arith.constant 1 : i32
    %dma_start3A_13 = arith.constant 128 : i32
    %dma_start3A_14 = arith.constant 0 : i32
    %dma_start3A_15 = tpu.memref_slice %arg6[%dma_start3A_13, %dma_start3A_14] : memref<1024x64xf32, #tpu.memory_space<vmem>> -> memref<128x64xf32, #tpu.memory_space<vmem>>
    %dma_start3A_16 = arith.constant 0 : i32
    %dma_start3A_17 = tpu.memref_slice %arg5[%dma_start3A_12, %dma_start3A_16] : memref<8x128xi32, #tpu.memory_space<vmem>> -> memref<1x128xi32, #tpu.memory_space<vmem>>
    %dma_start3A_18 = tpu.memref_squeeze %dma_start3A_17 : memref<1x128xi32, #tpu.memory_space<vmem>> -> memref<128xi32, #tpu.memory_space<vmem>>
    %dma_start3A_19 = arith.constant 0 : i32
    %dma_start3A_20 = arith.constant 0 : i32
    %dma_start3A_21 = tpu.memref_slice %arg3[%dma_start3A_19, %dma_start3A_20] : memref<8192x64xf32, #tpu.memory_space<hbm>> -> memref<8192x64xf32, #tpu.memory_space<hbm>>
    tpu.enqueue_indirect_dma source(%dma_start3A_21 : memref<8192x64xf32, #tpu.memory_space<hbm>>) target(%dma_start3A_15 : memref<128x64xf32, #tpu.memory_space<vmem>>) offsets(%dma_start3A_18 : memref<128xi32, #tpu.memory_space<vmem>>) semaphore(%arg7 : memref<!tpu.dma_semaphore, #tpu.memory_space<semaphore_mem>>)
    %dma_start3A_22 = arith.constant 2 : i32
    %dma_start3A_23 = arith.constant 256 : i32
    %dma_start3A_24 = arith.constant 0 : i32
    %dma_start3A_25 = tpu.memref_slice %arg6[%dma_start3A_23, %dma_start3A_24] : memref<1024x64xf32, #tpu.memory_space<vmem>> -> memref<128x64xf32, #tpu.memory_space<vmem>>
    %dma_start3A_26 = arith.constant 0 : i32
    %dma_start3A_27 = tpu.memref_slice %arg5[%dma_start3A_22, %dma_start3A_26] : memref<8x128xi32, #tpu.memory_space<vmem>> -> memref<1x128xi32, #tpu.memory_space<vmem>>
    %dma_start3A_28 = tpu.memref_squeeze %dma_start3A_27 : memref<1x128xi32, #tpu.memory_space<vmem>> -> memref<128xi32, #tpu.memory_space<vmem>>
    %dma_start3A_29 = arith.constant 0 : i32
    %dma_start3A_30 = arith.constant 0 : i32
    %dma_start3A_31 = tpu.memref_slice %arg3[%dma_start3A_29, %dma_start3A_30] : memref<8192x64xf32, #tpu.memory_space<hbm>> -> memref<8192x64xf32, #tpu.memory_space<hbm>>
    tpu.enqueue_indirect_dma source(%dma_start3A_31 : memref<8192x64xf32, #tpu.memory_space<hbm>>) target(%dma_start3A_25 : memref<128x64xf32, #tpu.memory_space<vmem>>) offsets(%dma_start3A_28 : memref<128xi32, #tpu.memory_space<vmem>>) semaphore(%arg7 : memref<!tpu.dma_semaphore, #tpu.memory_space<semaphore_mem>>)
    %dma_start3A_32 = arith.constant 3 : i32
    %dma_start3A_33 = arith.constant 384 : i32
    %dma_start3A_34 = arith.constant 0 : i32
    %dma_start3A_35 = tpu.memref_slice %arg6[%dma_start3A_33, %dma_start3A_34] : memref<1024x64xf32, #tpu.memory_space<vmem>> -> memref<128x64xf32, #tpu.memory_space<vmem>>
    %dma_start3A_36 = arith.constant 0 : i32
    %dma_start3A_37 = tpu.memref_slice %arg5[%dma_start3A_32, %dma_start3A_36] : memref<8x128xi32, #tpu.memory_space<vmem>> -> memref<1x128xi32, #tpu.memory_space<vmem>>
    %dma_start3A_38 = tpu.memref_squeeze %dma_start3A_37 : memref<1x128xi32, #tpu.memory_space<vmem>> -> memref<128xi32, #tpu.memory_space<vmem>>
    %dma_start3A_39 = arith.constant 0 : i32
    %dma_start3A_40 = arith.constant 0 : i32
    %dma_start3A_41 = tpu.memref_slice %arg3[%dma_start3A_39, %dma_start3A_40] : memref<8192x64xf32, #tpu.memory_space<hbm>> -> memref<8192x64xf32, #tpu.memory_space<hbm>>
    tpu.enqueue_indirect_dma source(%dma_start3A_41 : memref<8192x64xf32, #tpu.memory_space<hbm>>) target(%dma_start3A_35 : memref<128x64xf32, #tpu.memory_space<vmem>>) offsets(%dma_start3A_38 : memref<128xi32, #tpu.memory_space<vmem>>) semaphore(%arg7 : memref<!tpu.dma_semaphore, #tpu.memory_space<semaphore_mem>>)
    %dma_start3A_42 = arith.constant 4 : i32
    %dma_start3A_43 = arith.constant 512 : i32
    %dma_start3A_44 = arith.constant 0 : i32
    %dma_start3A_45 = tpu.memref_slice %arg6[%dma_start3A_43, %dma_start3A_44] : memref<1024x64xf32, #tpu.memory_space<vmem>> -> memref<128x64xf32, #tpu.memory_space<vmem>>
    %dma_start3A_46 = arith.constant 0 : i32
    %dma_start3A_47 = tpu.memref_slice %arg5[%dma_start3A_42, %dma_start3A_46] : memref<8x128xi32, #tpu.memory_space<vmem>> -> memref<1x128xi32, #tpu.memory_space<vmem>>
    %dma_start3A_48 = tpu.memref_squeeze %dma_start3A_47 : memref<1x128xi32, #tpu.memory_space<vmem>> -> memref<128xi32, #tpu.memory_space<vmem>>
    %dma_start3A_49 = arith.constant 0 : i32
    %dma_start3A_50 = arith.constant 0 : i32
    %dma_start3A_51 = tpu.memref_slice %arg3[%dma_start3A_49, %dma_start3A_50] : memref<8192x64xf32, #tpu.memory_space<hbm>> -> memref<8192x64xf32, #tpu.memory_space<hbm>>
    tpu.enqueue_indirect_dma source(%dma_start3A_51 : memref<8192x64xf32, #tpu.memory_space<hbm>>) target(%dma_start3A_45 : memref<128x64xf32, #tpu.memory_space<vmem>>) offsets(%dma_start3A_48 : memref<128xi32, #tpu.memory_space<vmem>>) semaphore(%arg7 : memref<!tpu.dma_semaphore, #tpu.memory_space<semaphore_mem>>)
    %dma_start3A_52 = arith.constant 5 : i32
    %dma_start3A_53 = arith.constant 640 : i32
    %dma_start3A_54 = arith.constant 0 : i32
    %dma_start3A_55 = tpu.memref_slice %arg6[%dma_start3A_53, %dma_start3A_54] : memref<1024x64xf32, #tpu.memory_space<vmem>> -> memref<128x64xf32, #tpu.memory_space<vmem>>
    %dma_start3A_56 = arith.constant 0 : i32
    %dma_start3A_57 = tpu.memref_slice %arg5[%dma_start3A_52, %dma_start3A_56] : memref<8x128xi32, #tpu.memory_space<vmem>> -> memref<1x128xi32, #tpu.memory_space<vmem>>
    %dma_start3A_58 = tpu.memref_squeeze %dma_start3A_57 : memref<1x128xi32, #tpu.memory_space<vmem>> -> memref<128xi32, #tpu.memory_space<vmem>>
    %dma_start3A_59 = arith.constant 0 : i32
    %dma_start3A_60 = arith.constant 0 : i32
    %dma_start3A_61 = tpu.memref_slice %arg3[%dma_start3A_59, %dma_start3A_60] : memref<8192x64xf32, #tpu.memory_space<hbm>> -> memref<8192x64xf32, #tpu.memory_space<hbm>>
    tpu.enqueue_indirect_dma source(%dma_start3A_61 : memref<8192x64xf32, #tpu.memory_space<hbm>>) target(%dma_start3A_55 : memref<128x64xf32, #tpu.memory_space<vmem>>) offsets(%dma_start3A_58 : memref<128xi32, #tpu.memory_space<vmem>>) semaphore(%arg7 : memref<!tpu.dma_semaphore, #tpu.memory_space<semaphore_mem>>)
    %dma_start3A_62 = arith.constant 6 : i32
    %dma_start3A_63 = arith.constant 768 : i32
    %dma_start3A_64 = arith.constant 0 : i32
    %dma_start3A_65 = tpu.memref_slice %arg6[%dma_start3A_63, %dma_start3A_64] : memref<1024x64xf32, #tpu.memory_space<vmem>> -> memref<128x64xf32, #tpu.memory_space<vmem>>
    %dma_start3A_66 = arith.constant 0 : i32
    %dma_start3A_67 = tpu.memref_slice %arg5[%dma_start3A_62, %dma_start3A_66] : memref<8x128xi32, #tpu.memory_space<vmem>> -> memref<1x128xi32, #tpu.memory_space<vmem>>
    %dma_start3A_68 = tpu.memref_squeeze %dma_start3A_67 : memref<1x128xi32, #tpu.memory_space<vmem>> -> memref<128xi32, #tpu.memory_space<vmem>>
    %dma_start3A_69 = arith.constant 0 : i32
    %dma_start3A_70 = arith.constant 0 : i32
    %dma_start3A_71 = tpu.memref_slice %arg3[%dma_start3A_69, %dma_start3A_70] : memref<8192x64xf32, #tpu.memory_space<hbm>> -> memref<8192x64xf32, #tpu.memory_space<hbm>>
    tpu.enqueue_indirect_dma source(%dma_start3A_71 : memref<8192x64xf32, #tpu.memory_space<hbm>>) target(%dma_start3A_65 : memref<128x64xf32, #tpu.memory_space<vmem>>) offsets(%dma_start3A_68 : memref<128xi32, #tpu.memory_space<vmem>>) semaphore(%arg7 : memref<!tpu.dma_semaphore, #tpu.memory_space<semaphore_mem>>)
    %dma_start3A_72 = arith.constant 7 : i32
    %dma_start3A_73 = arith.constant 896 : i32
    %dma_start3A_74 = arith.constant 0 : i32
    %dma_start3A_75 = tpu.memref_slice %arg6[%dma_start3A_73, %dma_start3A_74] : memref<1024x64xf32, #tpu.memory_space<vmem>> -> memref<128x64xf32, #tpu.memory_space<vmem>>
    %dma_start3A_76 = arith.constant 0 : i32
    %dma_start3A_77 = tpu.memref_slice %arg5[%dma_start3A_72, %dma_start3A_76] : memref<8x128xi32, #tpu.memory_space<vmem>> -> memref<1x128xi32, #tpu.memory_space<vmem>>
    %dma_start3A_78 = tpu.memref_squeeze %dma_start3A_77 : memref<1x128xi32, #tpu.memory_space<vmem>> -> memref<128xi32, #tpu.memory_space<vmem>>
    %dma_start3A_79 = arith.constant 0 : i32
    %dma_start3A_80 = arith.constant 0 : i32
    %dma_start3A_81 = tpu.memref_slice %arg3[%dma_start3A_79, %dma_start3A_80] : memref<8192x64xf32, #tpu.memory_space<hbm>> -> memref<8192x64xf32, #tpu.memory_space<hbm>>
    tpu.enqueue_indirect_dma source(%dma_start3A_81 : memref<8192x64xf32, #tpu.memory_space<hbm>>) target(%dma_start3A_75 : memref<128x64xf32, #tpu.memory_space<vmem>>) offsets(%dma_start3A_78 : memref<128xi32, #tpu.memory_space<vmem>>) semaphore(%arg7 : memref<!tpu.dma_semaphore, #tpu.memory_space<semaphore_mem>>)
    %dma_wait3A = arith.constant 0 : i32
    %dma_wait3A_82 = arith.constant 0 : i32
    %dma_wait3A_83 = arith.constant 0 : i32
    %dma_wait3A_84 = tpu.memref_slice %arg6[%dma_wait3A_82, %dma_wait3A_83] : memref<1024x64xf32, #tpu.memory_space<vmem>> -> memref<128x64xf32, #tpu.memory_space<vmem>>
    %dma_wait3A_85 = arith.constant 0 : i32
    %dma_wait3A_86 = tpu.memref_slice %arg5[%dma_wait3A, %dma_wait3A_85] : memref<8x128xi32, #tpu.memory_space<vmem>> -> memref<1x128xi32, #tpu.memory_space<vmem>>
    %dma_wait3A_87 = tpu.memref_squeeze %dma_wait3A_86 : memref<1x128xi32, #tpu.memory_space<vmem>> -> memref<128xi32, #tpu.memory_space<vmem>>
    %dma_wait3A_88 = arith.constant 0 : i32
    %dma_wait3A_89 = arith.constant 0 : i32
    %dma_wait3A_90 = tpu.memref_slice %arg3[%dma_wait3A_88, %dma_wait3A_89] : memref<8192x64xf32, #tpu.memory_space<hbm>> -> memref<8192x64xf32, #tpu.memory_space<hbm>>
    tpu.wait_indirect_dma semaphore(%arg7 : memref<!tpu.dma_semaphore, #tpu.memory_space<semaphore_mem>>) src(%dma_wait3A_90 : memref<8192x64xf32, #tpu.memory_space<hbm>>) dst(%dma_wait3A_84 : memref<128x64xf32, #tpu.memory_space<vmem>>)
    %dma_wait3A_91 = arith.constant 1 : i32
    %dma_wait3A_92 = arith.constant 128 : i32
    %dma_wait3A_93 = arith.constant 0 : i32
    %dma_wait3A_94 = tpu.memref_slice %arg6[%dma_wait3A_92, %dma_wait3A_93] : memref<1024x64xf32, #tpu.memory_space<vmem>> -> memref<128x64xf32, #tpu.memory_space<vmem>>
    %dma_wait3A_95 = arith.constant 0 : i32
    %dma_wait3A_96 = tpu.memref_slice %arg5[%dma_wait3A_91, %dma_wait3A_95] : memref<8x128xi32, #tpu.memory_space<vmem>> -> memref<1x128xi32, #tpu.memory_space<vmem>>
    %dma_wait3A_97 = tpu.memref_squeeze %dma_wait3A_96 : memref<1x128xi32, #tpu.memory_space<vmem>> -> memref<128xi32, #tpu.memory_space<vmem>>
    %dma_wait3A_98 = arith.constant 0 : i32
    %dma_wait3A_99 = arith.constant 0 : i32
    %dma_wait3A_100 = tpu.memref_slice %arg3[%dma_wait3A_98, %dma_wait3A_99] : memref<8192x64xf32, #tpu.memory_space<hbm>> -> memref<8192x64xf32, #tpu.memory_space<hbm>>
    tpu.wait_indirect_dma semaphore(%arg7 : memref<!tpu.dma_semaphore, #tpu.memory_space<semaphore_mem>>) src(%dma_wait3A_100 : memref<8192x64xf32, #tpu.memory_space<hbm>>) dst(%dma_wait3A_94 : memref<128x64xf32, #tpu.memory_space<vmem>>)
    %dma_wait3A_101 = arith.constant 2 : i32
    %dma_wait3A_102 = arith.constant 256 : i32
    %dma_wait3A_103 = arith.constant 0 : i32
    %dma_wait3A_104 = tpu.memref_slice %arg6[%dma_wait3A_102, %dma_wait3A_103] : memref<1024x64xf32, #tpu.memory_space<vmem>> -> memref<128x64xf32, #tpu.memory_space<vmem>>
    %dma_wait3A_105 = arith.constant 0 : i32
    %dma_wait3A_106 = tpu.memref_slice %arg5[%dma_wait3A_101, %dma_wait3A_105] : memref<8x128xi32, #tpu.memory_space<vmem>> -> memref<1x128xi32, #tpu.memory_space<vmem>>
    %dma_wait3A_107 = tpu.memref_squeeze %dma_wait3A_106 : memref<1x128xi32, #tpu.memory_space<vmem>> -> memref<128xi32, #tpu.memory_space<vmem>>
    %dma_wait3A_108 = arith.constant 0 : i32
    %dma_wait3A_109 = arith.constant 0 : i32
    %dma_wait3A_110 = tpu.memref_slice %arg3[%dma_wait3A_108, %dma_wait3A_109] : memref<8192x64xf32, #tpu.memory_space<hbm>> -> memref<8192x64xf32, #tpu.memory_space<hbm>>
    tpu.wait_indirect_dma semaphore(%arg7 : memref<!tpu.dma_semaphore, #tpu.memory_space<semaphore_mem>>) src(%dma_wait3A_110 : memref<8192x64xf32, #tpu.memory_space<hbm>>) dst(%dma_wait3A_104 : memref<128x64xf32, #tpu.memory_space<vmem>>)
    %dma_wait3A_111 = arith.constant 3 : i32
    %dma_wait3A_112 = arith.constant 384 : i32
    %dma_wait3A_113 = arith.constant 0 : i32
    %dma_wait3A_114 = tpu.memref_slice %arg6[%dma_wait3A_112, %dma_wait3A_113] : memref<1024x64xf32, #tpu.memory_space<vmem>> -> memref<128x64xf32, #tpu.memory_space<vmem>>
    %dma_wait3A_115 = arith.constant 0 : i32
    %dma_wait3A_116 = tpu.memref_slice %arg5[%dma_wait3A_111, %dma_wait3A_115] : memref<8x128xi32, #tpu.memory_space<vmem>> -> memref<1x128xi32, #tpu.memory_space<vmem>>
    %dma_wait3A_117 = tpu.memref_squeeze %dma_wait3A_116 : memref<1x128xi32, #tpu.memory_space<vmem>> -> memref<128xi32, #tpu.memory_space<vmem>>
    %dma_wait3A_118 = arith.constant 0 : i32
    %dma_wait3A_119 = arith.constant 0 : i32
    %dma_wait3A_120 = tpu.memref_slice %arg3[%dma_wait3A_118, %dma_wait3A_119] : memref<8192x64xf32, #tpu.memory_space<hbm>> -> memref<8192x64xf32, #tpu.memory_space<hbm>>
    tpu.wait_indirect_dma semaphore(%arg7 : memref<!tpu.dma_semaphore, #tpu.memory_space<semaphore_mem>>) src(%dma_wait3A_120 : memref<8192x64xf32, #tpu.memory_space<hbm>>) dst(%dma_wait3A_114 : memref<128x64xf32, #tpu.memory_space<vmem>>)
    %dma_wait3A_121 = arith.constant 4 : i32
    %dma_wait3A_122 = arith.constant 512 : i32
    %dma_wait3A_123 = arith.constant 0 : i32
    %dma_wait3A_124 = tpu.memref_slice %arg6[%dma_wait3A_122, %dma_wait3A_123] : memref<1024x64xf32, #tpu.memory_space<vmem>> -> memref<128x64xf32, #tpu.memory_space<vmem>>
    %dma_wait3A_125 = arith.constant 0 : i32
    %dma_wait3A_126 = tpu.memref_slice %arg5[%dma_wait3A_121, %dma_wait3A_125] : memref<8x128xi32, #tpu.memory_space<vmem>> -> memref<1x128xi32, #tpu.memory_space<vmem>>
    %dma_wait3A_127 = tpu.memref_squeeze %dma_wait3A_126 : memref<1x128xi32, #tpu.memory_space<vmem>> -> memref<128xi32, #tpu.memory_space<vmem>>
    %dma_wait3A_128 = arith.constant 0 : i32
    %dma_wait3A_129 = arith.constant 0 : i32
    %dma_wait3A_130 = tpu.memref_slice %arg3[%dma_wait3A_128, %dma_wait3A_129] : memref<8192x64xf32, #tpu.memory_space<hbm>> -> memref<8192x64xf32, #tpu.memory_space<hbm>>
    tpu.wait_indirect_dma semaphore(%arg7 : memref<!tpu.dma_semaphore, #tpu.memory_space<semaphore_mem>>) src(%dma_wait3A_130 : memref<8192x64xf32, #tpu.memory_space<hbm>>) dst(%dma_wait3A_124 : memref<128x64xf32, #tpu.memory_space<vmem>>)
    %dma_wait3A_131 = arith.constant 5 : i32
    %dma_wait3A_132 = arith.constant 640 : i32
    %dma_wait3A_133 = arith.constant 0 : i32
    %dma_wait3A_134 = tpu.memref_slice %arg6[%dma_wait3A_132, %dma_wait3A_133] : memref<1024x64xf32, #tpu.memory_space<vmem>> -> memref<128x64xf32, #tpu.memory_space<vmem>>
    %dma_wait3A_135 = arith.constant 0 : i32
    %dma_wait3A_136 = tpu.memref_slice %arg5[%dma_wait3A_131, %dma_wait3A_135] : memref<8x128xi32, #tpu.memory_space<vmem>> -> memref<1x128xi32, #tpu.memory_space<vmem>>
    %dma_wait3A_137 = tpu.memref_squeeze %dma_wait3A_136 : memref<1x128xi32, #tpu.memory_space<vmem>> -> memref<128xi32, #tpu.memory_space<vmem>>
    %dma_wait3A_138 = arith.constant 0 : i32
    %dma_wait3A_139 = arith.constant 0 : i32
    %dma_wait3A_140 = tpu.memref_slice %arg3[%dma_wait3A_138, %dma_wait3A_139] : memref<8192x64xf32, #tpu.memory_space<hbm>> -> memref<8192x64xf32, #tpu.memory_space<hbm>>
    tpu.wait_indirect_dma semaphore(%arg7 : memref<!tpu.dma_semaphore, #tpu.memory_space<semaphore_mem>>) src(%dma_wait3A_140 : memref<8192x64xf32, #tpu.memory_space<hbm>>) dst(%dma_wait3A_134 : memref<128x64xf32, #tpu.memory_space<vmem>>)
    %dma_wait3A_141 = arith.constant 6 : i32
    %dma_wait3A_142 = arith.constant 768 : i32
    %dma_wait3A_143 = arith.constant 0 : i32
    %dma_wait3A_144 = tpu.memref_slice %arg6[%dma_wait3A_142, %dma_wait3A_143] : memref<1024x64xf32, #tpu.memory_space<vmem>> -> memref<128x64xf32, #tpu.memory_space<vmem>>
    %dma_wait3A_145 = arith.constant 0 : i32
    %dma_wait3A_146 = tpu.memref_slice %arg5[%dma_wait3A_141, %dma_wait3A_145] : memref<8x128xi32, #tpu.memory_space<vmem>> -> memref<1x128xi32, #tpu.memory_space<vmem>>
    %dma_wait3A_147 = tpu.memref_squeeze %dma_wait3A_146 : memref<1x128xi32, #tpu.memory_space<vmem>> -> memref<128xi32, #tpu.memory_space<vmem>>
    %dma_wait3A_148 = arith.constant 0 : i32
    %dma_wait3A_149 = arith.constant 0 : i32
    %dma_wait3A_150 = tpu.memref_slice %arg3[%dma_wait3A_148, %dma_wait3A_149] : memref<8192x64xf32, #tpu.memory_space<hbm>> -> memref<8192x64xf32, #tpu.memory_space<hbm>>
    tpu.wait_indirect_dma semaphore(%arg7 : memref<!tpu.dma_semaphore, #tpu.memory_space<semaphore_mem>>) src(%dma_wait3A_150 : memref<8192x64xf32, #tpu.memory_space<hbm>>) dst(%dma_wait3A_144 : memref<128x64xf32, #tpu.memory_space<vmem>>)
    %dma_wait3A_151 = arith.constant 7 : i32
    %dma_wait3A_152 = arith.constant 896 : i32
    %dma_wait3A_153 = arith.constant 0 : i32
    %dma_wait3A_154 = tpu.memref_slice %arg6[%dma_wait3A_152, %dma_wait3A_153] : memref<1024x64xf32, #tpu.memory_space<vmem>> -> memref<128x64xf32, #tpu.memory_space<vmem>>
    %dma_wait3A_155 = arith.constant 0 : i32
    %dma_wait3A_156 = tpu.memref_slice %arg5[%dma_wait3A_151, %dma_wait3A_155] : memref<8x128xi32, #tpu.memory_space<vmem>> -> memref<1x128xi32, #tpu.memory_space<vmem>>
    %dma_wait3A_157 = tpu.memref_squeeze %dma_wait3A_156 : memref<1x128xi32, #tpu.memory_space<vmem>> -> memref<128xi32, #tpu.memory_space<vmem>>
    %dma_wait3A_158 = arith.constant 0 : i32
    %dma_wait3A_159 = arith.constant 0 : i32
    %dma_wait3A_160 = tpu.memref_slice %arg3[%dma_wait3A_158, %dma_wait3A_159] : memref<8192x64xf32, #tpu.memory_space<hbm>> -> memref<8192x64xf32, #tpu.memory_space<hbm>>
    tpu.wait_indirect_dma semaphore(%arg7 : memref<!tpu.dma_semaphore, #tpu.memory_space<semaphore_mem>>) src(%dma_wait3A_160 : memref<8192x64xf32, #tpu.memory_space<hbm>>) dst(%dma_wait3A_154 : memref<128x64xf32, #tpu.memory_space<vmem>>)
    "tpu.region"() ({
      %run_scoped3A = tpu.sem_alloc : memref<!tpu.dma_semaphore, #tpu.memory_space<semaphore_mem>>
      %dma_start3A_161 = arith.constant 0 : i32
      %dma_start3A_162 = tpu.memref_slice %arg4[%mul3A_2, %dma_start3A_161] : memref<32768x64xf32, #tpu.memory_space<hbm>> -> memref<1024x64xf32, #tpu.memory_space<hbm>>
      %dma_start3A_163 = arith.constant 0 : i32
      %dma_start3A_164 = tpu.memref_slice %arg4[%mul3A_2, %dma_start3A_163] : memref<32768x64xf32, #tpu.memory_space<hbm>> -> memref<1024x64xf32, #tpu.memory_space<hbm>>
      tpu.enqueue_dma source(%arg6 : memref<1024x64xf32, #tpu.memory_space<vmem>>) target(%dma_start3A_164 : memref<1024x64xf32, #tpu.memory_space<hbm>>) target_semaphore(%run_scoped3A : memref<!tpu.dma_semaphore, #tpu.memory_space<semaphore_mem>>)
      %dma_wait3A_165 = arith.constant 0 : i32
      %dma_wait3A_166 = tpu.memref_slice %arg4[%mul3A_2, %dma_wait3A_165] : memref<32768x64xf32, #tpu.memory_space<hbm>> -> memref<1024x64xf32, #tpu.memory_space<hbm>>
      %dma_wait3A_167 = arith.constant 0 : i32
      %dma_wait3A_168 = tpu.memref_slice %arg4[%mul3A_2, %dma_wait3A_167] : memref<32768x64xf32, #tpu.memory_space<hbm>> -> memref<1024x64xf32, #tpu.memory_space<hbm>>
      tpu.wait_dma2 semaphore(%run_scoped3A : memref<!tpu.dma_semaphore, #tpu.memory_space<semaphore_mem>>) src(%arg6 : memref<1024x64xf32, #tpu.memory_space<vmem>>) dst(%dma_wait3A_168 : memref<1024x64xf32, #tpu.memory_space<hbm>>)
      tpu.yield
    }) : () -> ()
    return
  }
}

module attributes {stable_mosaic.version = 14 : i64} {
  func.func @_argmax_body(%arg0: i32, %arg1: memref<2048x64xf32, #tpu.memory_space<vmem>>, %arg2: memref<8192x64xf32, #tpu.memory_space<vmem>>, %arg3: memref<2x8x128xi32, #tpu.memory_space<vmem>>, %arg4: memref<8192x64xf32, #tpu.memory_space<vmem>>) attributes {dimension_semantics = [#tpu.dimension_semantics<arbitrary>], iteration_bounds = array<i64: 16>, scalar_prefetch = 0 : i64, scratch_operands = 1 : i64, tpu.core_type = #tpu.core_type<tc>, window_params = [{transform_indices = @transform_0, window_bounds = array<i64: 2048, 64>}, {pipeline_mode = #tpu.pipeline_mode<synchronous>, transform_indices = @transform_1, window_bounds = array<i64: 8192, 64>}, {transform_indices = @transform_2, window_bounds = array<i64: 2, 8, 128>}]} {
    %eq3A = arith.constant 0 : i32
    %eq3A_0 = arith.cmpi eq, %arg0, %eq3A : i32
    %convert_element_type3A = arith.extui %eq3A_0 : i1 to i32
    %cond3A = arith.constant 0 : i32
    %cond3A_1 = arith.cmpi ne, %convert_element_type3A, %cond3A : i32
    scf.if %cond3A_1 {
      %get3A_435 = arith.constant 0 : index
      %get3A_436 = arith.constant 0 : index
      %get3A_437 = vector.load %arg2[%get3A_435, %get3A_436] : memref<8192x64xf32, #tpu.memory_space<vmem>>, vector<8192x64xf32>
      %mul3A_438 = arith.mulf %get3A_437, %get3A_437 : vector<8192x64xf32>
      %reduce_sum3A_439 = arith.constant dense<0.000000e+00> : vector<8192xf32>
      %reduce_sum3A_440 = vector.multi_reduction <add>, %mul3A_438, %reduce_sum3A_439 [1] : vector<8192x64xf32> to vector<8192xf32>
      %broadcast_in_dim3A_441 = vector.shape_cast %reduce_sum3A_440 : vector<8192xf32> to vector<8192x1xf32>
      %sqrt3A_442 = math.sqrt %broadcast_in_dim3A_441 : vector<8192x1xf32>
      %jit3A_443 = arith.constant 9.99999996E-13 : f32
      %max3A_444 = vector.broadcast %jit3A_443 : f32 to vector<8192x1xf32>
      %max3A_445 = arith.maximumf %max3A_444, %sqrt3A_442 : vector<8192x1xf32>
      %div3A_446 = vector.broadcast %max3A_445 : vector<8192x1xf32> to vector<8192x64xf32>
      %div3A_447 = arith.divf %get3A_437, %div3A_446 : vector<8192x64xf32>
      %swap3A_448 = arith.constant 0 : index
      %swap3A_449 = arith.constant 0 : index
      %swap3A_450 = vector.load %arg4[%swap3A_448, %swap3A_449] : memref<8192x64xf32, #tpu.memory_space<vmem>>, vector<8192x64xf32>
      tpu.vector_store %arg4[%swap3A_448, %swap3A_449], %div3A_447 {strides = array<i32>} : memref<8192x64xf32, #tpu.memory_space<vmem>>, vector<8192x64xf32>,
    } else {
    }
    %get3A = arith.constant 0 : index
    %get3A_2 = arith.constant 0 : index
    %get3A_3 = vector.load %arg1[%get3A, %get3A_2] : memref<2048x64xf32, #tpu.memory_space<vmem>>, vector<2048x64xf32>
    %mul3A = arith.mulf %get3A_3, %get3A_3 : vector<2048x64xf32>
    %reduce_sum3A = arith.constant dense<0.000000e+00> : vector<2048xf32>
    %reduce_sum3A_4 = vector.multi_reduction <add>, %mul3A, %reduce_sum3A [1] : vector<2048x64xf32> to vector<2048xf32>
    %broadcast_in_dim3A = vector.shape_cast %reduce_sum3A_4 : vector<2048xf32> to vector<2048x1xf32>
    %sqrt3A = math.sqrt %broadcast_in_dim3A : vector<2048x1xf32>
    %jit3A = arith.constant 9.99999996E-13 : f32
    %max3A = vector.broadcast %jit3A : f32 to vector<2048x1xf32>
    %max3A_5 = arith.maximumf %max3A, %sqrt3A : vector<2048x1xf32>
    %div3A = vector.broadcast %max3A_5 : vector<2048x1xf32> to vector<2048x64xf32>
    %div3A_6 = arith.divf %get3A_3, %div3A : vector<2048x64xf32>
    %get3A_7 = arith.constant 0 : index
    %get3A_8 = arith.constant 0 : index
    %get3A_9 = vector.load %arg4[%get3A_7, %get3A_8] : memref<8192x64xf32, #tpu.memory_space<vmem>>, vector<1024x64xf32>
    %dot_general3A = arith.constant dense<0.000000e+00> : vector<2048x1024xf32>
    %dot_general3A_10 = tpu.matmul %div3A_6, %get3A_9, %dot_general3A {dimension_numbers = #tpu.dot_dimension_numbers<[1], [1], [0], [0], [0, 0, 1, 0], [], []>, transpose_lhs_hint = false} : vector<2048x64xf32>, vector<1024x64xf32>, vector<2048x1024xf32> -> vector<2048x1024xf32>
    %slice3A = vector.extract_strided_slice %dot_general3A_10 {offsets = [0, 0], sizes = [2048, 128], strides = [1, 1]} : vector<2048x1024xf32> to vector<2048x128xf32>
    %slice3A_11 = vector.extract_strided_slice %dot_general3A_10 {offsets = [0, 128], sizes = [2048, 128], strides = [1, 1]} : vector<2048x1024xf32> to vector<2048x128xf32>
    %slice3A_12 = vector.extract_strided_slice %dot_general3A_10 {offsets = [0, 256], sizes = [2048, 128], strides = [1, 1]} : vector<2048x1024xf32> to vector<2048x128xf32>
    %slice3A_13 = vector.extract_strided_slice %dot_general3A_10 {offsets = [0, 384], sizes = [2048, 128], strides = [1, 1]} : vector<2048x1024xf32> to vector<2048x128xf32>
    %slice3A_14 = vector.extract_strided_slice %dot_general3A_10 {offsets = [0, 512], sizes = [2048, 128], strides = [1, 1]} : vector<2048x1024xf32> to vector<2048x128xf32>
    %slice3A_15 = vector.extract_strided_slice %dot_general3A_10 {offsets = [0, 640], sizes = [2048, 128], strides = [1, 1]} : vector<2048x1024xf32> to vector<2048x128xf32>
    %slice3A_16 = vector.extract_strided_slice %dot_general3A_10 {offsets = [0, 768], sizes = [2048, 128], strides = [1, 1]} : vector<2048x1024xf32> to vector<2048x128xf32>
    %slice3A_17 = vector.extract_strided_slice %dot_general3A_10 {offsets = [0, 896], sizes = [2048, 128], strides = [1, 1]} : vector<2048x1024xf32> to vector<2048x128xf32>
    %broadcast_in_dim3A_18 = arith.constant 0 : i32
    %broadcast_in_dim3A_19 = vector.broadcast %broadcast_in_dim3A_18 : i32 to vector<2048x128xi32>
    %broadcast_in_dim3A_20 = arith.constant 128 : i32
    %broadcast_in_dim3A_21 = vector.broadcast %broadcast_in_dim3A_20 : i32 to vector<2048x128xi32>
    %broadcast_in_dim3A_22 = arith.constant 256 : i32
    %broadcast_in_dim3A_23 = vector.broadcast %broadcast_in_dim3A_22 : i32 to vector<2048x128xi32>
    %broadcast_in_dim3A_24 = arith.constant 384 : i32
    %broadcast_in_dim3A_25 = vector.broadcast %broadcast_in_dim3A_24 : i32 to vector<2048x128xi32>
    %broadcast_in_dim3A_26 = arith.constant 512 : i32
    %broadcast_in_dim3A_27 = vector.broadcast %broadcast_in_dim3A_26 : i32 to vector<2048x128xi32>
    %broadcast_in_dim3A_28 = arith.constant 640 : i32
    %broadcast_in_dim3A_29 = vector.broadcast %broadcast_in_dim3A_28 : i32 to vector<2048x128xi32>
    %broadcast_in_dim3A_30 = arith.constant 768 : i32
    %broadcast_in_dim3A_31 = vector.broadcast %broadcast_in_dim3A_30 : i32 to vector<2048x128xi32>
    %broadcast_in_dim3A_32 = arith.constant 896 : i32
    %broadcast_in_dim3A_33 = vector.broadcast %broadcast_in_dim3A_32 : i32 to vector<2048x128xi32>
    %gt3A = arith.cmpf ogt, %slice3A_11, %slice3A : vector<2048x128xf32>
    %max3A_34 = arith.maximumf %slice3A, %slice3A_11 : vector<2048x128xf32>
    %select_n3A = arith.select %gt3A, %broadcast_in_dim3A_21, %broadcast_in_dim3A_19 : vector<2048x128xi1>, vector<2048x128xi32>
    %gt3A_35 = arith.cmpf ogt, %slice3A_13, %slice3A_12 : vector<2048x128xf32>
    %max3A_36 = arith.maximumf %slice3A_12, %slice3A_13 : vector<2048x128xf32>
    %select_n3A_37 = arith.select %gt3A_35, %broadcast_in_dim3A_25, %broadcast_in_dim3A_23 : vector<2048x128xi1>, vector<2048x128xi32>
    %gt3A_38 = arith.cmpf ogt, %slice3A_15, %slice3A_14 : vector<2048x128xf32>
    %max3A_39 = arith.maximumf %slice3A_14, %slice3A_15 : vector<2048x128xf32>
    %select_n3A_40 = arith.select %gt3A_38, %broadcast_in_dim3A_29, %broadcast_in_dim3A_27 : vector<2048x128xi1>, vector<2048x128xi32>
    %gt3A_41 = arith.cmpf ogt, %slice3A_17, %slice3A_16 : vector<2048x128xf32>
    %max3A_42 = arith.maximumf %slice3A_16, %slice3A_17 : vector<2048x128xf32>
    %select_n3A_43 = arith.select %gt3A_41, %broadcast_in_dim3A_33, %broadcast_in_dim3A_31 : vector<2048x128xi1>, vector<2048x128xi32>
    %gt3A_44 = arith.cmpf ogt, %max3A_36, %max3A_34 : vector<2048x128xf32>
    %max3A_45 = arith.maximumf %max3A_34, %max3A_36 : vector<2048x128xf32>
    %select_n3A_46 = arith.select %gt3A_44, %select_n3A_37, %select_n3A : vector<2048x128xi1>, vector<2048x128xi32>
    %gt3A_47 = arith.cmpf ogt, %max3A_42, %max3A_39 : vector<2048x128xf32>
    %max3A_48 = arith.maximumf %max3A_39, %max3A_42 : vector<2048x128xf32>
    %select_n3A_49 = arith.select %gt3A_47, %select_n3A_43, %select_n3A_40 : vector<2048x128xi1>, vector<2048x128xi32>
    %gt3A_50 = arith.cmpf ogt, %max3A_48, %max3A_45 : vector<2048x128xf32>
    %max3A_51 = arith.maximumf %max3A_45, %max3A_48 : vector<2048x128xf32>
    %select_n3A_52 = arith.select %gt3A_50, %select_n3A_49, %select_n3A_46 : vector<2048x128xi1>, vector<2048x128xi32>
    %get3A_53 = arith.constant 1024 : index
    %get3A_54 = arith.constant 0 : index
    %get3A_55 = vector.load %arg4[%get3A_53, %get3A_54] : memref<8192x64xf32, #tpu.memory_space<vmem>>, vector<1024x64xf32>
    %dot_general3A_56 = arith.constant dense<0.000000e+00> : vector<2048x1024xf32>
    %dot_general3A_57 = tpu.matmul %div3A_6, %get3A_55, %dot_general3A_56 {dimension_numbers = #tpu.dot_dimension_numbers<[1], [1], [0], [0], [0, 0, 1, 0], [], []>, transpose_lhs_hint = false} : vector<2048x64xf32>, vector<1024x64xf32>, vector<2048x1024xf32> -> vector<2048x1024xf32>
    %slice3A_58 = vector.extract_strided_slice %dot_general3A_57 {offsets = [0, 0], sizes = [2048, 128], strides = [1, 1]} : vector<2048x1024xf32> to vector<2048x128xf32>
    %slice3A_59 = vector.extract_strided_slice %dot_general3A_57 {offsets = [0, 128], sizes = [2048, 128], strides = [1, 1]} : vector<2048x1024xf32> to vector<2048x128xf32>
    %slice3A_60 = vector.extract_strided_slice %dot_general3A_57 {offsets = [0, 256], sizes = [2048, 128], strides = [1, 1]} : vector<2048x1024xf32> to vector<2048x128xf32>
    %slice3A_61 = vector.extract_strided_slice %dot_general3A_57 {offsets = [0, 384], sizes = [2048, 128], strides = [1, 1]} : vector<2048x1024xf32> to vector<2048x128xf32>
    %slice3A_62 = vector.extract_strided_slice %dot_general3A_57 {offsets = [0, 512], sizes = [2048, 128], strides = [1, 1]} : vector<2048x1024xf32> to vector<2048x128xf32>
    %slice3A_63 = vector.extract_strided_slice %dot_general3A_57 {offsets = [0, 640], sizes = [2048, 128], strides = [1, 1]} : vector<2048x1024xf32> to vector<2048x128xf32>
    %slice3A_64 = vector.extract_strided_slice %dot_general3A_57 {offsets = [0, 768], sizes = [2048, 128], strides = [1, 1]} : vector<2048x1024xf32> to vector<2048x128xf32>
    %slice3A_65 = vector.extract_strided_slice %dot_general3A_57 {offsets = [0, 896], sizes = [2048, 128], strides = [1, 1]} : vector<2048x1024xf32> to vector<2048x128xf32>
    %broadcast_in_dim3A_66 = arith.constant 1024 : i32
    %broadcast_in_dim3A_67 = vector.broadcast %broadcast_in_dim3A_66 : i32 to vector<2048x128xi32>
    %broadcast_in_dim3A_68 = arith.constant 1152 : i32
    %broadcast_in_dim3A_69 = vector.broadcast %broadcast_in_dim3A_68 : i32 to vector<2048x128xi32>
    %broadcast_in_dim3A_70 = arith.constant 1280 : i32
    %broadcast_in_dim3A_71 = vector.broadcast %broadcast_in_dim3A_70 : i32 to vector<2048x128xi32>
    %broadcast_in_dim3A_72 = arith.constant 1408 : i32
    %broadcast_in_dim3A_73 = vector.broadcast %broadcast_in_dim3A_72 : i32 to vector<2048x128xi32>
    %broadcast_in_dim3A_74 = arith.constant 1536 : i32
    %broadcast_in_dim3A_75 = vector.broadcast %broadcast_in_dim3A_74 : i32 to vector<2048x128xi32>
    %broadcast_in_dim3A_76 = arith.constant 1664 : i32
    %broadcast_in_dim3A_77 = vector.broadcast %broadcast_in_dim3A_76 : i32 to vector<2048x128xi32>
    %broadcast_in_dim3A_78 = arith.constant 1792 : i32
    %broadcast_in_dim3A_79 = vector.broadcast %broadcast_in_dim3A_78 : i32 to vector<2048x128xi32>
    %broadcast_in_dim3A_80 = arith.constant 1920 : i32
    %broadcast_in_dim3A_81 = vector.broadcast %broadcast_in_dim3A_80 : i32 to vector<2048x128xi32>
    %gt3A_82 = arith.cmpf ogt, %slice3A_59, %slice3A_58 : vector<2048x128xf32>
    %max3A_83 = arith.maximumf %slice3A_58, %slice3A_59 : vector<2048x128xf32>
    %select_n3A_84 = arith.select %gt3A_82, %broadcast_in_dim3A_69, %broadcast_in_dim3A_67 : vector<2048x128xi1>, vector<2048x128xi32>
    %gt3A_85 = arith.cmpf ogt, %slice3A_61, %slice3A_60 : vector<2048x128xf32>
    %max3A_86 = arith.maximumf %slice3A_60, %slice3A_61 : vector<2048x128xf32>
    %select_n3A_87 = arith.select %gt3A_85, %broadcast_in_dim3A_73, %broadcast_in_dim3A_71 : vector<2048x128xi1>, vector<2048x128xi32>
    %gt3A_88 = arith.cmpf ogt, %slice3A_63, %slice3A_62 : vector<2048x128xf32>
    %max3A_89 = arith.maximumf %slice3A_62, %slice3A_63 : vector<2048x128xf32>
    %select_n3A_90 = arith.select %gt3A_88, %broadcast_in_dim3A_77, %broadcast_in_dim3A_75 : vector<2048x128xi1>, vector<2048x128xi32>
    %gt3A_91 = arith.cmpf ogt, %slice3A_65, %slice3A_64 : vector<2048x128xf32>
    %max3A_92 = arith.maximumf %slice3A_64, %slice3A_65 : vector<2048x128xf32>
    %select_n3A_93 = arith.select %gt3A_91, %broadcast_in_dim3A_81, %broadcast_in_dim3A_79 : vector<2048x128xi1>, vector<2048x128xi32>
    %gt3A_94 = arith.cmpf ogt, %max3A_86, %max3A_83 : vector<2048x128xf32>
    %max3A_95 = arith.maximumf %max3A_83, %max3A_86 : vector<2048x128xf32>
    %select_n3A_96 = arith.select %gt3A_94, %select_n3A_87, %select_n3A_84 : vector<2048x128xi1>, vector<2048x128xi32>
    %gt3A_97 = arith.cmpf ogt, %max3A_92, %max3A_89 : vector<2048x128xf32>
    %max3A_98 = arith.maximumf %max3A_89, %max3A_92 : vector<2048x128xf32>
    %select_n3A_99 = arith.select %gt3A_97, %select_n3A_93, %select_n3A_90 : vector<2048x128xi1>, vector<2048x128xi32>
    %gt3A_100 = arith.cmpf ogt, %max3A_98, %max3A_95 : vector<2048x128xf32>
    %max3A_101 = arith.maximumf %max3A_95, %max3A_98 : vector<2048x128xf32>
    %select_n3A_102 = arith.select %gt3A_100, %select_n3A_99, %select_n3A_96 : vector<2048x128xi1>, vector<2048x128xi32>
    %get3A_103 = arith.constant 2048 : index
    %get3A_104 = arith.constant 0 : index
    %get3A_105 = vector.load %arg4[%get3A_103, %get3A_104] : memref<8192x64xf32, #tpu.memory_space<vmem>>, vector<1024x64xf32>
    %dot_general3A_106 = arith.constant dense<0.000000e+00> : vector<2048x1024xf32>
    %dot_general3A_107 = tpu.matmul %div3A_6, %get3A_105, %dot_general3A_106 {dimension_numbers = #tpu.dot_dimension_numbers<[1], [1], [0], [0], [0, 0, 1, 0], [], []>, transpose_lhs_hint = false} : vector<2048x64xf32>, vector<1024x64xf32>, vector<2048x1024xf32> -> vector<2048x1024xf32>
    %slice3A_108 = vector.extract_strided_slice %dot_general3A_107 {offsets = [0, 0], sizes = [2048, 128], strides = [1, 1]} : vector<2048x1024xf32> to vector<2048x128xf32>
    %slice3A_109 = vector.extract_strided_slice %dot_general3A_107 {offsets = [0, 128], sizes = [2048, 128], strides = [1, 1]} : vector<2048x1024xf32> to vector<2048x128xf32>
    %slice3A_110 = vector.extract_strided_slice %dot_general3A_107 {offsets = [0, 256], sizes = [2048, 128], strides = [1, 1]} : vector<2048x1024xf32> to vector<2048x128xf32>
    %slice3A_111 = vector.extract_strided_slice %dot_general3A_107 {offsets = [0, 384], sizes = [2048, 128], strides = [1, 1]} : vector<2048x1024xf32> to vector<2048x128xf32>
    %slice3A_112 = vector.extract_strided_slice %dot_general3A_107 {offsets = [0, 512], sizes = [2048, 128], strides = [1, 1]} : vector<2048x1024xf32> to vector<2048x128xf32>
    %slice3A_113 = vector.extract_strided_slice %dot_general3A_107 {offsets = [0, 640], sizes = [2048, 128], strides = [1, 1]} : vector<2048x1024xf32> to vector<2048x128xf32>
    %slice3A_114 = vector.extract_strided_slice %dot_general3A_107 {offsets = [0, 768], sizes = [2048, 128], strides = [1, 1]} : vector<2048x1024xf32> to vector<2048x128xf32>
    %slice3A_115 = vector.extract_strided_slice %dot_general3A_107 {offsets = [0, 896], sizes = [2048, 128], strides = [1, 1]} : vector<2048x1024xf32> to vector<2048x128xf32>
    %broadcast_in_dim3A_116 = arith.constant 2048 : i32
    %broadcast_in_dim3A_117 = vector.broadcast %broadcast_in_dim3A_116 : i32 to vector<2048x128xi32>
    %broadcast_in_dim3A_118 = arith.constant 2176 : i32
    %broadcast_in_dim3A_119 = vector.broadcast %broadcast_in_dim3A_118 : i32 to vector<2048x128xi32>
    %broadcast_in_dim3A_120 = arith.constant 2304 : i32
    %broadcast_in_dim3A_121 = vector.broadcast %broadcast_in_dim3A_120 : i32 to vector<2048x128xi32>
    %broadcast_in_dim3A_122 = arith.constant 2432 : i32
    %broadcast_in_dim3A_123 = vector.broadcast %broadcast_in_dim3A_122 : i32 to vector<2048x128xi32>
    %broadcast_in_dim3A_124 = arith.constant 2560 : i32
    %broadcast_in_dim3A_125 = vector.broadcast %broadcast_in_dim3A_124 : i32 to vector<2048x128xi32>
    %broadcast_in_dim3A_126 = arith.constant 2688 : i32
    %broadcast_in_dim3A_127 = vector.broadcast %broadcast_in_dim3A_126 : i32 to vector<2048x128xi32>
    %broadcast_in_dim3A_128 = arith.constant 2816 : i32
    %broadcast_in_dim3A_129 = vector.broadcast %broadcast_in_dim3A_128 : i32 to vector<2048x128xi32>
    %broadcast_in_dim3A_130 = arith.constant 2944 : i32
    %broadcast_in_dim3A_131 = vector.broadcast %broadcast_in_dim3A_130 : i32 to vector<2048x128xi32>
    %gt3A_132 = arith.cmpf ogt, %slice3A_109, %slice3A_108 : vector<2048x128xf32>
    %max3A_133 = arith.maximumf %slice3A_108, %slice3A_109 : vector<2048x128xf32>
    %select_n3A_134 = arith.select %gt3A_132, %broadcast_in_dim3A_119, %broadcast_in_dim3A_117 : vector<2048x128xi1>, vector<2048x128xi32>
    %gt3A_135 = arith.cmpf ogt, %slice3A_111, %slice3A_110 : vector<2048x128xf32>
    %max3A_136 = arith.maximumf %slice3A_110, %slice3A_111 : vector<2048x128xf32>
    %select_n3A_137 = arith.select %gt3A_135, %broadcast_in_dim3A_123, %broadcast_in_dim3A_121 : vector<2048x128xi1>, vector<2048x128xi32>
    %gt3A_138 = arith.cmpf ogt, %slice3A_113, %slice3A_112 : vector<2048x128xf32>
    %max3A_139 = arith.maximumf %slice3A_112, %slice3A_113 : vector<2048x128xf32>
    %select_n3A_140 = arith.select %gt3A_138, %broadcast_in_dim3A_127, %broadcast_in_dim3A_125 : vector<2048x128xi1>, vector<2048x128xi32>
    %gt3A_141 = arith.cmpf ogt, %slice3A_115, %slice3A_114 : vector<2048x128xf32>
    %max3A_142 = arith.maximumf %slice3A_114, %slice3A_115 : vector<2048x128xf32>
    %select_n3A_143 = arith.select %gt3A_141, %broadcast_in_dim3A_131, %broadcast_in_dim3A_129 : vector<2048x128xi1>, vector<2048x128xi32>
    %gt3A_144 = arith.cmpf ogt, %max3A_136, %max3A_133 : vector<2048x128xf32>
    %max3A_145 = arith.maximumf %max3A_133, %max3A_136 : vector<2048x128xf32>
    %select_n3A_146 = arith.select %gt3A_144, %select_n3A_137, %select_n3A_134 : vector<2048x128xi1>, vector<2048x128xi32>
    %gt3A_147 = arith.cmpf ogt, %max3A_142, %max3A_139 : vector<2048x128xf32>
    %max3A_148 = arith.maximumf %max3A_139, %max3A_142 : vector<2048x128xf32>
    %select_n3A_149 = arith.select %gt3A_147, %select_n3A_143, %select_n3A_140 : vector<2048x128xi1>, vector<2048x128xi32>
    %gt3A_150 = arith.cmpf ogt, %max3A_148, %max3A_145 : vector<2048x128xf32>
    %max3A_151 = arith.maximumf %max3A_145, %max3A_148 : vector<2048x128xf32>
    %select_n3A_152 = arith.select %gt3A_150, %select_n3A_149, %select_n3A_146 : vector<2048x128xi1>, vector<2048x128xi32>
    %get3A_153 = arith.constant 3072 : index
    %get3A_154 = arith.constant 0 : index
    %get3A_155 = vector.load %arg4[%get3A_153, %get3A_154] : memref<8192x64xf32, #tpu.memory_space<vmem>>, vector<1024x64xf32>
    %dot_general3A_156 = arith.constant dense<0.000000e+00> : vector<2048x1024xf32>
    %dot_general3A_157 = tpu.matmul %div3A_6, %get3A_155, %dot_general3A_156 {dimension_numbers = #tpu.dot_dimension_numbers<[1], [1], [0], [0], [0, 0, 1, 0], [], []>, transpose_lhs_hint = false} : vector<2048x64xf32>, vector<1024x64xf32>, vector<2048x1024xf32> -> vector<2048x1024xf32>
    %slice3A_158 = vector.extract_strided_slice %dot_general3A_157 {offsets = [0, 0], sizes = [2048, 128], strides = [1, 1]} : vector<2048x1024xf32> to vector<2048x128xf32>
    %slice3A_159 = vector.extract_strided_slice %dot_general3A_157 {offsets = [0, 128], sizes = [2048, 128], strides = [1, 1]} : vector<2048x1024xf32> to vector<2048x128xf32>
    %slice3A_160 = vector.extract_strided_slice %dot_general3A_157 {offsets = [0, 256], sizes = [2048, 128], strides = [1, 1]} : vector<2048x1024xf32> to vector<2048x128xf32>
    %slice3A_161 = vector.extract_strided_slice %dot_general3A_157 {offsets = [0, 384], sizes = [2048, 128], strides = [1, 1]} : vector<2048x1024xf32> to vector<2048x128xf32>
    %slice3A_162 = vector.extract_strided_slice %dot_general3A_157 {offsets = [0, 512], sizes = [2048, 128], strides = [1, 1]} : vector<2048x1024xf32> to vector<2048x128xf32>
    %slice3A_163 = vector.extract_strided_slice %dot_general3A_157 {offsets = [0, 640], sizes = [2048, 128], strides = [1, 1]} : vector<2048x1024xf32> to vector<2048x128xf32>
    %slice3A_164 = vector.extract_strided_slice %dot_general3A_157 {offsets = [0, 768], sizes = [2048, 128], strides = [1, 1]} : vector<2048x1024xf32> to vector<2048x128xf32>
    %slice3A_165 = vector.extract_strided_slice %dot_general3A_157 {offsets = [0, 896], sizes = [2048, 128], strides = [1, 1]} : vector<2048x1024xf32> to vector<2048x128xf32>
    %broadcast_in_dim3A_166 = arith.constant 3072 : i32
    %broadcast_in_dim3A_167 = vector.broadcast %broadcast_in_dim3A_166 : i32 to vector<2048x128xi32>
    %broadcast_in_dim3A_168 = arith.constant 3200 : i32
    %broadcast_in_dim3A_169 = vector.broadcast %broadcast_in_dim3A_168 : i32 to vector<2048x128xi32>
    %broadcast_in_dim3A_170 = arith.constant 3328 : i32
    %broadcast_in_dim3A_171 = vector.broadcast %broadcast_in_dim3A_170 : i32 to vector<2048x128xi32>
    %broadcast_in_dim3A_172 = arith.constant 3456 : i32
    %broadcast_in_dim3A_173 = vector.broadcast %broadcast_in_dim3A_172 : i32 to vector<2048x128xi32>
    %broadcast_in_dim3A_174 = arith.constant 3584 : i32
    %broadcast_in_dim3A_175 = vector.broadcast %broadcast_in_dim3A_174 : i32 to vector<2048x128xi32>
    %broadcast_in_dim3A_176 = arith.constant 3712 : i32
    %broadcast_in_dim3A_177 = vector.broadcast %broadcast_in_dim3A_176 : i32 to vector<2048x128xi32>
    %broadcast_in_dim3A_178 = arith.constant 3840 : i32
    %broadcast_in_dim3A_179 = vector.broadcast %broadcast_in_dim3A_178 : i32 to vector<2048x128xi32>
    %broadcast_in_dim3A_180 = arith.constant 3968 : i32
    %broadcast_in_dim3A_181 = vector.broadcast %broadcast_in_dim3A_180 : i32 to vector<2048x128xi32>
    %gt3A_182 = arith.cmpf ogt, %slice3A_159, %slice3A_158 : vector<2048x128xf32>
    %max3A_183 = arith.maximumf %slice3A_158, %slice3A_159 : vector<2048x128xf32>
    %select_n3A_184 = arith.select %gt3A_182, %broadcast_in_dim3A_169, %broadcast_in_dim3A_167 : vector<2048x128xi1>, vector<2048x128xi32>
    %gt3A_185 = arith.cmpf ogt, %slice3A_161, %slice3A_160 : vector<2048x128xf32>
    %max3A_186 = arith.maximumf %slice3A_160, %slice3A_161 : vector<2048x128xf32>
    %select_n3A_187 = arith.select %gt3A_185, %broadcast_in_dim3A_173, %broadcast_in_dim3A_171 : vector<2048x128xi1>, vector<2048x128xi32>
    %gt3A_188 = arith.cmpf ogt, %slice3A_163, %slice3A_162 : vector<2048x128xf32>
    %max3A_189 = arith.maximumf %slice3A_162, %slice3A_163 : vector<2048x128xf32>
    %select_n3A_190 = arith.select %gt3A_188, %broadcast_in_dim3A_177, %broadcast_in_dim3A_175 : vector<2048x128xi1>, vector<2048x128xi32>
    %gt3A_191 = arith.cmpf ogt, %slice3A_165, %slice3A_164 : vector<2048x128xf32>
    %max3A_192 = arith.maximumf %slice3A_164, %slice3A_165 : vector<2048x128xf32>
    %select_n3A_193 = arith.select %gt3A_191, %broadcast_in_dim3A_181, %broadcast_in_dim3A_179 : vector<2048x128xi1>, vector<2048x128xi32>
    %gt3A_194 = arith.cmpf ogt, %max3A_186, %max3A_183 : vector<2048x128xf32>
    %max3A_195 = arith.maximumf %max3A_183, %max3A_186 : vector<2048x128xf32>
    %select_n3A_196 = arith.select %gt3A_194, %select_n3A_187, %select_n3A_184 : vector<2048x128xi1>, vector<2048x128xi32>
    %gt3A_197 = arith.cmpf ogt, %max3A_192, %max3A_189 : vector<2048x128xf32>
    %max3A_198 = arith.maximumf %max3A_189, %max3A_192 : vector<2048x128xf32>
    %select_n3A_199 = arith.select %gt3A_197, %select_n3A_193, %select_n3A_190 : vector<2048x128xi1>, vector<2048x128xi32>
    %gt3A_200 = arith.cmpf ogt, %max3A_198, %max3A_195 : vector<2048x128xf32>
    %max3A_201 = arith.maximumf %max3A_195, %max3A_198 : vector<2048x128xf32>
    %select_n3A_202 = arith.select %gt3A_200, %select_n3A_199, %select_n3A_196 : vector<2048x128xi1>, vector<2048x128xi32>
    %get3A_203 = arith.constant 4096 : index
    %get3A_204 = arith.constant 0 : index
    %get3A_205 = vector.load %arg4[%get3A_203, %get3A_204] : memref<8192x64xf32, #tpu.memory_space<vmem>>, vector<1024x64xf32>
    %dot_general3A_206 = arith.constant dense<0.000000e+00> : vector<2048x1024xf32>
    %dot_general3A_207 = tpu.matmul %div3A_6, %get3A_205, %dot_general3A_206 {dimension_numbers = #tpu.dot_dimension_numbers<[1], [1], [0], [0], [0, 0, 1, 0], [], []>, transpose_lhs_hint = false} : vector<2048x64xf32>, vector<1024x64xf32>, vector<2048x1024xf32> -> vector<2048x1024xf32>
    %slice3A_208 = vector.extract_strided_slice %dot_general3A_207 {offsets = [0, 0], sizes = [2048, 128], strides = [1, 1]} : vector<2048x1024xf32> to vector<2048x128xf32>
    %slice3A_209 = vector.extract_strided_slice %dot_general3A_207 {offsets = [0, 128], sizes = [2048, 128], strides = [1, 1]} : vector<2048x1024xf32> to vector<2048x128xf32>
    %slice3A_210 = vector.extract_strided_slice %dot_general3A_207 {offsets = [0, 256], sizes = [2048, 128], strides = [1, 1]} : vector<2048x1024xf32> to vector<2048x128xf32>
    %slice3A_211 = vector.extract_strided_slice %dot_general3A_207 {offsets = [0, 384], sizes = [2048, 128], strides = [1, 1]} : vector<2048x1024xf32> to vector<2048x128xf32>
    %slice3A_212 = vector.extract_strided_slice %dot_general3A_207 {offsets = [0, 512], sizes = [2048, 128], strides = [1, 1]} : vector<2048x1024xf32> to vector<2048x128xf32>
    %slice3A_213 = vector.extract_strided_slice %dot_general3A_207 {offsets = [0, 640], sizes = [2048, 128], strides = [1, 1]} : vector<2048x1024xf32> to vector<2048x128xf32>
    %slice3A_214 = vector.extract_strided_slice %dot_general3A_207 {offsets = [0, 768], sizes = [2048, 128], strides = [1, 1]} : vector<2048x1024xf32> to vector<2048x128xf32>
    %slice3A_215 = vector.extract_strided_slice %dot_general3A_207 {offsets = [0, 896], sizes = [2048, 128], strides = [1, 1]} : vector<2048x1024xf32> to vector<2048x128xf32>
    %broadcast_in_dim3A_216 = arith.constant 4096 : i32
    %broadcast_in_dim3A_217 = vector.broadcast %broadcast_in_dim3A_216 : i32 to vector<2048x128xi32>
    %broadcast_in_dim3A_218 = arith.constant 4224 : i32
    %broadcast_in_dim3A_219 = vector.broadcast %broadcast_in_dim3A_218 : i32 to vector<2048x128xi32>
    %broadcast_in_dim3A_220 = arith.constant 4352 : i32
    %broadcast_in_dim3A_221 = vector.broadcast %broadcast_in_dim3A_220 : i32 to vector<2048x128xi32>
    %broadcast_in_dim3A_222 = arith.constant 4480 : i32
    %broadcast_in_dim3A_223 = vector.broadcast %broadcast_in_dim3A_222 : i32 to vector<2048x128xi32>
    %broadcast_in_dim3A_224 = arith.constant 4608 : i32
    %broadcast_in_dim3A_225 = vector.broadcast %broadcast_in_dim3A_224 : i32 to vector<2048x128xi32>
    %broadcast_in_dim3A_226 = arith.constant 4736 : i32
    %broadcast_in_dim3A_227 = vector.broadcast %broadcast_in_dim3A_226 : i32 to vector<2048x128xi32>
    %broadcast_in_dim3A_228 = arith.constant 4864 : i32
    %broadcast_in_dim3A_229 = vector.broadcast %broadcast_in_dim3A_228 : i32 to vector<2048x128xi32>
    %broadcast_in_dim3A_230 = arith.constant 4992 : i32
    %broadcast_in_dim3A_231 = vector.broadcast %broadcast_in_dim3A_230 : i32 to vector<2048x128xi32>
    %gt3A_232 = arith.cmpf ogt, %slice3A_209, %slice3A_208 : vector<2048x128xf32>
    %max3A_233 = arith.maximumf %slice3A_208, %slice3A_209 : vector<2048x128xf32>
    %select_n3A_234 = arith.select %gt3A_232, %broadcast_in_dim3A_219, %broadcast_in_dim3A_217 : vector<2048x128xi1>, vector<2048x128xi32>
    %gt3A_235 = arith.cmpf ogt, %slice3A_211, %slice3A_210 : vector<2048x128xf32>
    %max3A_236 = arith.maximumf %slice3A_210, %slice3A_211 : vector<2048x128xf32>
    %select_n3A_237 = arith.select %gt3A_235, %broadcast_in_dim3A_223, %broadcast_in_dim3A_221 : vector<2048x128xi1>, vector<2048x128xi32>
    %gt3A_238 = arith.cmpf ogt, %slice3A_213, %slice3A_212 : vector<2048x128xf32>
    %max3A_239 = arith.maximumf %slice3A_212, %slice3A_213 : vector<2048x128xf32>
    %select_n3A_240 = arith.select %gt3A_238, %broadcast_in_dim3A_227, %broadcast_in_dim3A_225 : vector<2048x128xi1>, vector<2048x128xi32>
    %gt3A_241 = arith.cmpf ogt, %slice3A_215, %slice3A_214 : vector<2048x128xf32>
    %max3A_242 = arith.maximumf %slice3A_214, %slice3A_215 : vector<2048x128xf32>
    %select_n3A_243 = arith.select %gt3A_241, %broadcast_in_dim3A_231, %broadcast_in_dim3A_229 : vector<2048x128xi1>, vector<2048x128xi32>
    %gt3A_244 = arith.cmpf ogt, %max3A_236, %max3A_233 : vector<2048x128xf32>
    %max3A_245 = arith.maximumf %max3A_233, %max3A_236 : vector<2048x128xf32>
    %select_n3A_246 = arith.select %gt3A_244, %select_n3A_237, %select_n3A_234 : vector<2048x128xi1>, vector<2048x128xi32>
    %gt3A_247 = arith.cmpf ogt, %max3A_242, %max3A_239 : vector<2048x128xf32>
    %max3A_248 = arith.maximumf %max3A_239, %max3A_242 : vector<2048x128xf32>
    %select_n3A_249 = arith.select %gt3A_247, %select_n3A_243, %select_n3A_240 : vector<2048x128xi1>, vector<2048x128xi32>
    %gt3A_250 = arith.cmpf ogt, %max3A_248, %max3A_245 : vector<2048x128xf32>
    %max3A_251 = arith.maximumf %max3A_245, %max3A_248 : vector<2048x128xf32>
    %select_n3A_252 = arith.select %gt3A_250, %select_n3A_249, %select_n3A_246 : vector<2048x128xi1>, vector<2048x128xi32>
    %get3A_253 = arith.constant 5120 : index
    %get3A_254 = arith.constant 0 : index
    %get3A_255 = vector.load %arg4[%get3A_253, %get3A_254] : memref<8192x64xf32, #tpu.memory_space<vmem>>, vector<1024x64xf32>
    %dot_general3A_256 = arith.constant dense<0.000000e+00> : vector<2048x1024xf32>
    %dot_general3A_257 = tpu.matmul %div3A_6, %get3A_255, %dot_general3A_256 {dimension_numbers = #tpu.dot_dimension_numbers<[1], [1], [0], [0], [0, 0, 1, 0], [], []>, transpose_lhs_hint = false} : vector<2048x64xf32>, vector<1024x64xf32>, vector<2048x1024xf32> -> vector<2048x1024xf32>
    %slice3A_258 = vector.extract_strided_slice %dot_general3A_257 {offsets = [0, 0], sizes = [2048, 128], strides = [1, 1]} : vector<2048x1024xf32> to vector<2048x128xf32>
    %slice3A_259 = vector.extract_strided_slice %dot_general3A_257 {offsets = [0, 128], sizes = [2048, 128], strides = [1, 1]} : vector<2048x1024xf32> to vector<2048x128xf32>
    %slice3A_260 = vector.extract_strided_slice %dot_general3A_257 {offsets = [0, 256], sizes = [2048, 128], strides = [1, 1]} : vector<2048x1024xf32> to vector<2048x128xf32>
    %slice3A_261 = vector.extract_strided_slice %dot_general3A_257 {offsets = [0, 384], sizes = [2048, 128], strides = [1, 1]} : vector<2048x1024xf32> to vector<2048x128xf32>
    %slice3A_262 = vector.extract_strided_slice %dot_general3A_257 {offsets = [0, 512], sizes = [2048, 128], strides = [1, 1]} : vector<2048x1024xf32> to vector<2048x128xf32>
    %slice3A_263 = vector.extract_strided_slice %dot_general3A_257 {offsets = [0, 640], sizes = [2048, 128], strides = [1, 1]} : vector<2048x1024xf32> to vector<2048x128xf32>
    %slice3A_264 = vector.extract_strided_slice %dot_general3A_257 {offsets = [0, 768], sizes = [2048, 128], strides = [1, 1]} : vector<2048x1024xf32> to vector<2048x128xf32>
    %slice3A_265 = vector.extract_strided_slice %dot_general3A_257 {offsets = [0, 896], sizes = [2048, 128], strides = [1, 1]} : vector<2048x1024xf32> to vector<2048x128xf32>
    %broadcast_in_dim3A_266 = arith.constant 5120 : i32
    %broadcast_in_dim3A_267 = vector.broadcast %broadcast_in_dim3A_266 : i32 to vector<2048x128xi32>
    %broadcast_in_dim3A_268 = arith.constant 5248 : i32
    %broadcast_in_dim3A_269 = vector.broadcast %broadcast_in_dim3A_268 : i32 to vector<2048x128xi32>
    %broadcast_in_dim3A_270 = arith.constant 5376 : i32
    %broadcast_in_dim3A_271 = vector.broadcast %broadcast_in_dim3A_270 : i32 to vector<2048x128xi32>
    %broadcast_in_dim3A_272 = arith.constant 5504 : i32
    %broadcast_in_dim3A_273 = vector.broadcast %broadcast_in_dim3A_272 : i32 to vector<2048x128xi32>
    %broadcast_in_dim3A_274 = arith.constant 5632 : i32
    %broadcast_in_dim3A_275 = vector.broadcast %broadcast_in_dim3A_274 : i32 to vector<2048x128xi32>
    %broadcast_in_dim3A_276 = arith.constant 5760 : i32
    %broadcast_in_dim3A_277 = vector.broadcast %broadcast_in_dim3A_276 : i32 to vector<2048x128xi32>
    %broadcast_in_dim3A_278 = arith.constant 5888 : i32
    %broadcast_in_dim3A_279 = vector.broadcast %broadcast_in_dim3A_278 : i32 to vector<2048x128xi32>
    %broadcast_in_dim3A_280 = arith.constant 6016 : i32
    %broadcast_in_dim3A_281 = vector.broadcast %broadcast_in_dim3A_280 : i32 to vector<2048x128xi32>
    %gt3A_282 = arith.cmpf ogt, %slice3A_259, %slice3A_258 : vector<2048x128xf32>
    %max3A_283 = arith.maximumf %slice3A_258, %slice3A_259 : vector<2048x128xf32>
    %select_n3A_284 = arith.select %gt3A_282, %broadcast_in_dim3A_269, %broadcast_in_dim3A_267 : vector<2048x128xi1>, vector<2048x128xi32>
    %gt3A_285 = arith.cmpf ogt, %slice3A_261, %slice3A_260 : vector<2048x128xf32>
    %max3A_286 = arith.maximumf %slice3A_260, %slice3A_261 : vector<2048x128xf32>
    %select_n3A_287 = arith.select %gt3A_285, %broadcast_in_dim3A_273, %broadcast_in_dim3A_271 : vector<2048x128xi1>, vector<2048x128xi32>
    %gt3A_288 = arith.cmpf ogt, %slice3A_263, %slice3A_262 : vector<2048x128xf32>
    %max3A_289 = arith.maximumf %slice3A_262, %slice3A_263 : vector<2048x128xf32>
    %select_n3A_290 = arith.select %gt3A_288, %broadcast_in_dim3A_277, %broadcast_in_dim3A_275 : vector<2048x128xi1>, vector<2048x128xi32>
    %gt3A_291 = arith.cmpf ogt, %slice3A_265, %slice3A_264 : vector<2048x128xf32>
    %max3A_292 = arith.maximumf %slice3A_264, %slice3A_265 : vector<2048x128xf32>
    %select_n3A_293 = arith.select %gt3A_291, %broadcast_in_dim3A_281, %broadcast_in_dim3A_279 : vector<2048x128xi1>, vector<2048x128xi32>
    %gt3A_294 = arith.cmpf ogt, %max3A_286, %max3A_283 : vector<2048x128xf32>
    %max3A_295 = arith.maximumf %max3A_283, %max3A_286 : vector<2048x128xf32>
    %select_n3A_296 = arith.select %gt3A_294, %select_n3A_287, %select_n3A_284 : vector<2048x128xi1>, vector<2048x128xi32>
    %gt3A_297 = arith.cmpf ogt, %max3A_292, %max3A_289 : vector<2048x128xf32>
    %max3A_298 = arith.maximumf %max3A_289, %max3A_292 : vector<2048x128xf32>
    %select_n3A_299 = arith.select %gt3A_297, %select_n3A_293, %select_n3A_290 : vector<2048x128xi1>, vector<2048x128xi32>
    %gt3A_300 = arith.cmpf ogt, %max3A_298, %max3A_295 : vector<2048x128xf32>
    %max3A_301 = arith.maximumf %max3A_295, %max3A_298 : vector<2048x128xf32>
    %select_n3A_302 = arith.select %gt3A_300, %select_n3A_299, %select_n3A_296 : vector<2048x128xi1>, vector<2048x128xi32>
    %get3A_303 = arith.constant 6144 : index
    %get3A_304 = arith.constant 0 : index
    %get3A_305 = vector.load %arg4[%get3A_303, %get3A_304] : memref<8192x64xf32, #tpu.memory_space<vmem>>, vector<1024x64xf32>
    %dot_general3A_306 = arith.constant dense<0.000000e+00> : vector<2048x1024xf32>
    %dot_general3A_307 = tpu.matmul %div3A_6, %get3A_305, %dot_general3A_306 {dimension_numbers = #tpu.dot_dimension_numbers<[1], [1], [0], [0], [0, 0, 1, 0], [], []>, transpose_lhs_hint = false} : vector<2048x64xf32>, vector<1024x64xf32>, vector<2048x1024xf32> -> vector<2048x1024xf32>
    %slice3A_308 = vector.extract_strided_slice %dot_general3A_307 {offsets = [0, 0], sizes = [2048, 128], strides = [1, 1]} : vector<2048x1024xf32> to vector<2048x128xf32>
    %slice3A_309 = vector.extract_strided_slice %dot_general3A_307 {offsets = [0, 128], sizes = [2048, 128], strides = [1, 1]} : vector<2048x1024xf32> to vector<2048x128xf32>
    %slice3A_310 = vector.extract_strided_slice %dot_general3A_307 {offsets = [0, 256], sizes = [2048, 128], strides = [1, 1]} : vector<2048x1024xf32> to vector<2048x128xf32>
    %slice3A_311 = vector.extract_strided_slice %dot_general3A_307 {offsets = [0, 384], sizes = [2048, 128], strides = [1, 1]} : vector<2048x1024xf32> to vector<2048x128xf32>
    %slice3A_312 = vector.extract_strided_slice %dot_general3A_307 {offsets = [0, 512], sizes = [2048, 128], strides = [1, 1]} : vector<2048x1024xf32> to vector<2048x128xf32>
    %slice3A_313 = vector.extract_strided_slice %dot_general3A_307 {offsets = [0, 640], sizes = [2048, 128], strides = [1, 1]} : vector<2048x1024xf32> to vector<2048x128xf32>
    %slice3A_314 = vector.extract_strided_slice %dot_general3A_307 {offsets = [0, 768], sizes = [2048, 128], strides = [1, 1]} : vector<2048x1024xf32> to vector<2048x128xf32>
    %slice3A_315 = vector.extract_strided_slice %dot_general3A_307 {offsets = [0, 896], sizes = [2048, 128], strides = [1, 1]} : vector<2048x1024xf32> to vector<2048x128xf32>
    %broadcast_in_dim3A_316 = arith.constant 6144 : i32
    %broadcast_in_dim3A_317 = vector.broadcast %broadcast_in_dim3A_316 : i32 to vector<2048x128xi32>
    %broadcast_in_dim3A_318 = arith.constant 6272 : i32
    %broadcast_in_dim3A_319 = vector.broadcast %broadcast_in_dim3A_318 : i32 to vector<2048x128xi32>
    %broadcast_in_dim3A_320 = arith.constant 6400 : i32
    %broadcast_in_dim3A_321 = vector.broadcast %broadcast_in_dim3A_320 : i32 to vector<2048x128xi32>
    %broadcast_in_dim3A_322 = arith.constant 6528 : i32
    %broadcast_in_dim3A_323 = vector.broadcast %broadcast_in_dim3A_322 : i32 to vector<2048x128xi32>
    %broadcast_in_dim3A_324 = arith.constant 6656 : i32
    %broadcast_in_dim3A_325 = vector.broadcast %broadcast_in_dim3A_324 : i32 to vector<2048x128xi32>
    %broadcast_in_dim3A_326 = arith.constant 6784 : i32
    %broadcast_in_dim3A_327 = vector.broadcast %broadcast_in_dim3A_326 : i32 to vector<2048x128xi32>
    %broadcast_in_dim3A_328 = arith.constant 6912 : i32
    %broadcast_in_dim3A_329 = vector.broadcast %broadcast_in_dim3A_328 : i32 to vector<2048x128xi32>
    %broadcast_in_dim3A_330 = arith.constant 7040 : i32
    %broadcast_in_dim3A_331 = vector.broadcast %broadcast_in_dim3A_330 : i32 to vector<2048x128xi32>
    %gt3A_332 = arith.cmpf ogt, %slice3A_309, %slice3A_308 : vector<2048x128xf32>
    %max3A_333 = arith.maximumf %slice3A_308, %slice3A_309 : vector<2048x128xf32>
    %select_n3A_334 = arith.select %gt3A_332, %broadcast_in_dim3A_319, %broadcast_in_dim3A_317 : vector<2048x128xi1>, vector<2048x128xi32>
    %gt3A_335 = arith.cmpf ogt, %slice3A_311, %slice3A_310 : vector<2048x128xf32>
    %max3A_336 = arith.maximumf %slice3A_310, %slice3A_311 : vector<2048x128xf32>
    %select_n3A_337 = arith.select %gt3A_335, %broadcast_in_dim3A_323, %broadcast_in_dim3A_321 : vector<2048x128xi1>, vector<2048x128xi32>
    %gt3A_338 = arith.cmpf ogt, %slice3A_313, %slice3A_312 : vector<2048x128xf32>
    %max3A_339 = arith.maximumf %slice3A_312, %slice3A_313 : vector<2048x128xf32>
    %select_n3A_340 = arith.select %gt3A_338, %broadcast_in_dim3A_327, %broadcast_in_dim3A_325 : vector<2048x128xi1>, vector<2048x128xi32>
    %gt3A_341 = arith.cmpf ogt, %slice3A_315, %slice3A_314 : vector<2048x128xf32>
    %max3A_342 = arith.maximumf %slice3A_314, %slice3A_315 : vector<2048x128xf32>
    %select_n3A_343 = arith.select %gt3A_341, %broadcast_in_dim3A_331, %broadcast_in_dim3A_329 : vector<2048x128xi1>, vector<2048x128xi32>
    %gt3A_344 = arith.cmpf ogt, %max3A_336, %max3A_333 : vector<2048x128xf32>
    %max3A_345 = arith.maximumf %max3A_333, %max3A_336 : vector<2048x128xf32>
    %select_n3A_346 = arith.select %gt3A_344, %select_n3A_337, %select_n3A_334 : vector<2048x128xi1>, vector<2048x128xi32>
    %gt3A_347 = arith.cmpf ogt, %max3A_342, %max3A_339 : vector<2048x128xf32>
    %max3A_348 = arith.maximumf %max3A_339, %max3A_342 : vector<2048x128xf32>
    %select_n3A_349 = arith.select %gt3A_347, %select_n3A_343, %select_n3A_340 : vector<2048x128xi1>, vector<2048x128xi32>
    %gt3A_350 = arith.cmpf ogt, %max3A_348, %max3A_345 : vector<2048x128xf32>
    %max3A_351 = arith.maximumf %max3A_345, %max3A_348 : vector<2048x128xf32>
    %select_n3A_352 = arith.select %gt3A_350, %select_n3A_349, %select_n3A_346 : vector<2048x128xi1>, vector<2048x128xi32>
    %get3A_353 = arith.constant 7168 : index
    %get3A_354 = arith.constant 0 : index
    %get3A_355 = vector.load %arg4[%get3A_353, %get3A_354] : memref<8192x64xf32, #tpu.memory_space<vmem>>, vector<1024x64xf32>
    %dot_general3A_356 = arith.constant dense<0.000000e+00> : vector<2048x1024xf32>
    %dot_general3A_357 = tpu.matmul %div3A_6, %get3A_355, %dot_general3A_356 {dimension_numbers = #tpu.dot_dimension_numbers<[1], [1], [0], [0], [0, 0, 1, 0], [], []>, transpose_lhs_hint = false} : vector<2048x64xf32>, vector<1024x64xf32>, vector<2048x1024xf32> -> vector<2048x1024xf32>
    %slice3A_358 = vector.extract_strided_slice %dot_general3A_357 {offsets = [0, 0], sizes = [2048, 128], strides = [1, 1]} : vector<2048x1024xf32> to vector<2048x128xf32>
    %slice3A_359 = vector.extract_strided_slice %dot_general3A_357 {offsets = [0, 128], sizes = [2048, 128], strides = [1, 1]} : vector<2048x1024xf32> to vector<2048x128xf32>
    %slice3A_360 = vector.extract_strided_slice %dot_general3A_357 {offsets = [0, 256], sizes = [2048, 128], strides = [1, 1]} : vector<2048x1024xf32> to vector<2048x128xf32>
    %slice3A_361 = vector.extract_strided_slice %dot_general3A_357 {offsets = [0, 384], sizes = [2048, 128], strides = [1, 1]} : vector<2048x1024xf32> to vector<2048x128xf32>
    %slice3A_362 = vector.extract_strided_slice %dot_general3A_357 {offsets = [0, 512], sizes = [2048, 128], strides = [1, 1]} : vector<2048x1024xf32> to vector<2048x128xf32>
    %slice3A_363 = vector.extract_strided_slice %dot_general3A_357 {offsets = [0, 640], sizes = [2048, 128], strides = [1, 1]} : vector<2048x1024xf32> to vector<2048x128xf32>
    %slice3A_364 = vector.extract_strided_slice %dot_general3A_357 {offsets = [0, 768], sizes = [2048, 128], strides = [1, 1]} : vector<2048x1024xf32> to vector<2048x128xf32>
    %slice3A_365 = vector.extract_strided_slice %dot_general3A_357 {offsets = [0, 896], sizes = [2048, 128], strides = [1, 1]} : vector<2048x1024xf32> to vector<2048x128xf32>
    %broadcast_in_dim3A_366 = arith.constant 7168 : i32
    %broadcast_in_dim3A_367 = vector.broadcast %broadcast_in_dim3A_366 : i32 to vector<2048x128xi32>
    %broadcast_in_dim3A_368 = arith.constant 7296 : i32
    %broadcast_in_dim3A_369 = vector.broadcast %broadcast_in_dim3A_368 : i32 to vector<2048x128xi32>
    %broadcast_in_dim3A_370 = arith.constant 7424 : i32
    %broadcast_in_dim3A_371 = vector.broadcast %broadcast_in_dim3A_370 : i32 to vector<2048x128xi32>
    %broadcast_in_dim3A_372 = arith.constant 7552 : i32
    %broadcast_in_dim3A_373 = vector.broadcast %broadcast_in_dim3A_372 : i32 to vector<2048x128xi32>
    %broadcast_in_dim3A_374 = arith.constant 7680 : i32
    %broadcast_in_dim3A_375 = vector.broadcast %broadcast_in_dim3A_374 : i32 to vector<2048x128xi32>
    %broadcast_in_dim3A_376 = arith.constant 7808 : i32
    %broadcast_in_dim3A_377 = vector.broadcast %broadcast_in_dim3A_376 : i32 to vector<2048x128xi32>
    %broadcast_in_dim3A_378 = arith.constant 7936 : i32
    %broadcast_in_dim3A_379 = vector.broadcast %broadcast_in_dim3A_378 : i32 to vector<2048x128xi32>
    %broadcast_in_dim3A_380 = arith.constant 8064 : i32
    %broadcast_in_dim3A_381 = vector.broadcast %broadcast_in_dim3A_380 : i32 to vector<2048x128xi32>
    %gt3A_382 = arith.cmpf ogt, %slice3A_359, %slice3A_358 : vector<2048x128xf32>
    %max3A_383 = arith.maximumf %slice3A_358, %slice3A_359 : vector<2048x128xf32>
    %select_n3A_384 = arith.select %gt3A_382, %broadcast_in_dim3A_369, %broadcast_in_dim3A_367 : vector<2048x128xi1>, vector<2048x128xi32>
    %gt3A_385 = arith.cmpf ogt, %slice3A_361, %slice3A_360 : vector<2048x128xf32>
    %max3A_386 = arith.maximumf %slice3A_360, %slice3A_361 : vector<2048x128xf32>
    %select_n3A_387 = arith.select %gt3A_385, %broadcast_in_dim3A_373, %broadcast_in_dim3A_371 : vector<2048x128xi1>, vector<2048x128xi32>
    %gt3A_388 = arith.cmpf ogt, %slice3A_363, %slice3A_362 : vector<2048x128xf32>
    %max3A_389 = arith.maximumf %slice3A_362, %slice3A_363 : vector<2048x128xf32>
    %select_n3A_390 = arith.select %gt3A_388, %broadcast_in_dim3A_377, %broadcast_in_dim3A_375 : vector<2048x128xi1>, vector<2048x128xi32>
    %gt3A_391 = arith.cmpf ogt, %slice3A_365, %slice3A_364 : vector<2048x128xf32>
    %max3A_392 = arith.maximumf %slice3A_364, %slice3A_365 : vector<2048x128xf32>
    %select_n3A_393 = arith.select %gt3A_391, %broadcast_in_dim3A_381, %broadcast_in_dim3A_379 : vector<2048x128xi1>, vector<2048x128xi32>
    %gt3A_394 = arith.cmpf ogt, %max3A_386, %max3A_383 : vector<2048x128xf32>
    %max3A_395 = arith.maximumf %max3A_383, %max3A_386 : vector<2048x128xf32>
    %select_n3A_396 = arith.select %gt3A_394, %select_n3A_387, %select_n3A_384 : vector<2048x128xi1>, vector<2048x128xi32>
    %gt3A_397 = arith.cmpf ogt, %max3A_392, %max3A_389 : vector<2048x128xf32>
    %max3A_398 = arith.maximumf %max3A_389, %max3A_392 : vector<2048x128xf32>
    %select_n3A_399 = arith.select %gt3A_397, %select_n3A_393, %select_n3A_390 : vector<2048x128xi1>, vector<2048x128xi32>
    %gt3A_400 = arith.cmpf ogt, %max3A_398, %max3A_395 : vector<2048x128xf32>
    %max3A_401 = arith.maximumf %max3A_395, %max3A_398 : vector<2048x128xf32>
    %select_n3A_402 = arith.select %gt3A_400, %select_n3A_399, %select_n3A_396 : vector<2048x128xi1>, vector<2048x128xi32>
    %gt3A_403 = arith.cmpf ogt, %max3A_101, %max3A_51 : vector<2048x128xf32>
    %max3A_404 = arith.maximumf %max3A_51, %max3A_101 : vector<2048x128xf32>
    %select_n3A_405 = arith.select %gt3A_403, %select_n3A_102, %select_n3A_52 : vector<2048x128xi1>, vector<2048x128xi32>
    %gt3A_406 = arith.cmpf ogt, %max3A_201, %max3A_151 : vector<2048x128xf32>
    %max3A_407 = arith.maximumf %max3A_151, %max3A_201 : vector<2048x128xf32>
    %select_n3A_408 = arith.select %gt3A_406, %select_n3A_202, %select_n3A_152 : vector<2048x128xi1>, vector<2048x128xi32>
    %gt3A_409 = arith.cmpf ogt, %max3A_301, %max3A_251 : vector<2048x128xf32>
    %max3A_410 = arith.maximumf %max3A_251, %max3A_301 : vector<2048x128xf32>
    %select_n3A_411 = arith.select %gt3A_409, %select_n3A_302, %select_n3A_252 : vector<2048x128xi1>, vector<2048x128xi32>
    %gt3A_412 = arith.cmpf ogt, %max3A_401, %max3A_351 : vector<2048x128xf32>
    %max3A_413 = arith.maximumf %max3A_351, %max3A_401 : vector<2048x128xf32>
    %select_n3A_414 = arith.select %gt3A_412, %select_n3A_402, %select_n3A_352 : vector<2048x128xi1>, vector<2048x128xi32>
    %gt3A_415 = arith.cmpf ogt, %max3A_407, %max3A_404 : vector<2048x128xf32>
    %max3A_416 = arith.maximumf %max3A_404, %max3A_407 : vector<2048x128xf32>
    %select_n3A_417 = arith.select %gt3A_415, %select_n3A_408, %select_n3A_405 : vector<2048x128xi1>, vector<2048x128xi32>
    %gt3A_418 = arith.cmpf ogt, %max3A_413, %max3A_410 : vector<2048x128xf32>
    %max3A_419 = arith.maximumf %max3A_410, %max3A_413 : vector<2048x128xf32>
    %select_n3A_420 = arith.select %gt3A_418, %select_n3A_414, %select_n3A_411 : vector<2048x128xi1>, vector<2048x128xi32>
    %gt3A_421 = arith.cmpf ogt, %max3A_419, %max3A_416 : vector<2048x128xf32>
    %max3A_422 = arith.maximumf %max3A_416, %max3A_419 : vector<2048x128xf32>
    %select_n3A_423 = arith.select %gt3A_421, %select_n3A_420, %select_n3A_417 : vector<2048x128xi1>, vector<2048x128xi32>
    %reduce_max3A = arith.constant dense<0xFF800000> : vector<2048xf32>
    %reduce_max3A_424 = vector.multi_reduction <maximumf>, %max3A_422, %reduce_max3A [1] : vector<2048x128xf32> to vector<2048xf32>
    %iota3A = tpu.iota {dimensions = array<i32: 1>} : vector<2048x128xi32>
    %add3A = arith.addi %select_n3A_423, %iota3A : vector<2048x128xi32>
    %broadcast_in_dim3A_425 = vector.shape_cast %reduce_max3A_424 : vector<2048xf32> to vector<2048x1xf32>
    %eq3A_426 = vector.broadcast %broadcast_in_dim3A_425 : vector<2048x1xf32> to vector<2048x128xf32>
    %eq3A_427 = arith.cmpf oeq, %max3A_422, %eq3A_426 : vector<2048x128xf32>
    %jit3A_428 = arith.constant 1073741824 : i32
    %broadcast_in_dim3A_429 = vector.broadcast %jit3A_428 : i32 to vector<2048x128xi32>
    %select_n3A_430 = arith.select %eq3A_427, %add3A, %broadcast_in_dim3A_429 : vector<2048x128xi1>, vector<2048x128xi32>
    %reduce_min3A = arith.constant dense<2147483647> : vector<2048xi32>
    %reduce_min3A_431 = vector.multi_reduction <minsi>, %select_n3A_430, %reduce_min3A [1] : vector<2048x128xi32> to vector<2048xi32>
    %reshape3A = vector.shape_cast %reduce_min3A_431 : vector<2048xi32> to vector<2x8x128xi32>
    %swap3A = arith.constant 0 : index
    %swap3A_432 = arith.constant 0 : index
    %swap3A_433 = arith.constant 0 : index
    %swap3A_434 = vector.load %arg3[%swap3A, %swap3A_432, %swap3A_433] : memref<2x8x128xi32, #tpu.memory_space<vmem>>, vector<2x8x128xi32>
    tpu.vector_store %arg3[%swap3A, %swap3A_432, %swap3A_433], %reshape3A {strides = array<i32>} : memref<2x8x128xi32, #tpu.memory_space<vmem>>, vector<2x8x128xi32>,
    return
  }
  func.func @transform_0(%arg0: i32) -> (i32, i32) {
    %c0_i32 = arith.constant 0 : i32
    %c0_i32_0 = arith.constant 0 : i32
    return %arg0, %c0_i32 : i32, i32
  }
  func.func @transform_1(%arg0: i32) -> (i32, i32) {
    %c0_i32 = arith.constant 0 : i32
    %c0_i32_0 = arith.constant 0 : i32
    %c0_i32_1 = arith.constant 0 : i32
    return %c0_i32, %c0_i32_0 : i32, i32
  }
  func.func @transform_2(%arg0: i32) -> (i32, i32, i32) {
    %c0_i32 = arith.constant 0 : i32
    %c0_i32_0 = arith.constant 0 : i32
    %c0_i32_1 = arith.constant 0 : i32
    return %arg0, %c0_i32, %c0_i32_0 : i32, i32, i32
  }
}

</mosaic_0001>

<sc_bundles>
// kernel: kernel.4.cloned.1.call-start
scs
__scs_entry_jumppad:
0x0: {  	(pc) =	sbr.rel $0x88, $3  }
0x1: {  	(tag) =	ssettag $0x0;
	lr =	simm.s32 $0x1  }
0x2: {  	[smem:$0x3F9F] =	sst lr;
	_ =	strace $0xD0000000  }
0x3: {  	_ = 	snop  }
0x4: {  	_ = 	snop  }
0x5: {  	_ = 	snop  }
0x6: {  	_ = 	snop  }
0x7: {  	_ = 	snop  }
__scs_overlays_trampoline_lowered:
0x8: {  	[smem:$0x3FAE] =	sst s0  }
0x9: {  	[smem:$0x3FAF] =	sst s1  }
0xa: {  	[smem:$0x3FB0] =	sst s2  }
0xb: {  	[smem:$0x3FB1] =	sst s3  }
0xc: {  	[smem:$0x3FB2] =	sst s4  }
0xd: {  	[smem:$0x3FB3] =	sst s5  }
0xe: {  	[smem:$0x3FB4] =	sst s6  }
0xf: {  	[smem:$0x3FB5] =	sst s7  }
0x10: {  	[smem:$0x3FB6] =	sst s8  }
0x11: {  	[smem:$0x3FB7] =	sst s9;
	s0 =	simm.s32 @!p0 $0x0  }
0x12: {  	s1 =	sld [smem:$0x3F9D];
	s0 =	simm.s32 @p0 $0x1  }
0x13: {  	[smem:$0x3FB8] =	sst s0;
	s0 =	simm.s32 @!p1 $0x0  }
0x14: {  	s2 =	sld [smem:$0x3F9C];
	s0 =	simm.s32 @p1 $0x1  }
0x15: {  	[smem:$0x3FB9] =	sst s0;
	s0 =	simm.s32 @!p2 $0x0  }
0x16: {  	s3 =	sld [smem:$0x3FDB];
	s0 =	simm.s32 @p2 $0x1  }
0x17: {  	s4 =	simm.s32 $0x1BF5;
	[smem:$0x3FBB] =	sst s0  }
0x18: {  	s0 =	sld [smem:$0x3F9E];
	_ =	swait.ge [sflag:s4], $0x0  }
0x19: {  	s7 =	sld [smem:$0x3F9F]  }
0x1a: {  	s8 =	sadd.s32 $0xFFFFE003, lr  }
0x1b: {  	s9 =	sadd.s32 $0xFFFFFEF7, lr;
	s5 =	simm.s32 $0xFFFFFFFF;
	p2 =	slt.u32 s8, $0xFFFFF086  }
0x1c: {  	p1 =	slt.u32 s9, $0xF7A;
	s5 =	simm.s32 @!p2 $0x0  }
0x1d: {  	s5 =	simm.s32 @p1 $0x1;
	p0 =	seq.s32 s7, s2  }
0x1e: {  	s7 =	smul.u32 @!p0 $0xF7A, s2;
	p2 =	seq.s32 @!p0 s5, $0x0  }
0x1f: {  	s9 =	smul.u32 $0xF7A, s1;
	s8 =	simm.s32 @!p0 $0x1BF5;
	p2 =	por !p2, p0  }
0x20: {  	[sflag:s8] =	ssyncset.s32 @!p0 $0xFFFFF086;
	s6 =	sadd.s32 @!p0 s3, s7;
	s7 =	simm.s32 @!p0 $0x108  }
0x21: {  	s3 =	sadd.s32 s3, s9;
	s6 =	sadd.s32 @!p0 $0x88, s6;
	s7 =	simm.s32 @p2 $0x1082  }
0x22: {  	[simem:s7], [sflag:s8] =	dma.local @!p0 [hbm:s6], $0xF7A  }
0x23: {  	s9 =	sor.u32 $0xD0000000, s2;
	s6 =	simm.s32 $0x108;
	_ =	swait.ge @!p0 [sflag:s8], $0x0  }
0x24: {  	s3 =	sadd.s32 $0x88, s3;
	s6 =	simm.s32 @!p1 $0x1082;
	[sflag:s4] =	ssyncset.s32 $0xFFFFF086  }
0x25: {  	[simem:s6], [sflag:s4] =	dma.local [hbm:s3], $0xF7A  }
0x26: {  	[smem:$0x3F9F] =	sst s1;
	(tag) =	ssettag s2;
	_ =	strace s9  }
0x27: {  	s1 =	sld [smem:$0x3FAF]  }
0x28: {  	s2 =	sld [smem:$0x3FB0]  }
0x29: {  	s4 =	sld [smem:$0x3FB2]  }
0x2a: {  	p0 =	seq.s32 s5, $0x0;
	s5 =	sld [smem:$0x3FB3]  }
0x2b: {  	s6 =	sld [smem:$0x3FB4]  }
0x2c: {  	s7 =	sld [smem:$0x3FB5]  }
0x2d: {  	s3 =	simm.s32 $0x108;
	s8 =	sld [smem:$0x3FB6]  }
0x2e: {  	s3 =	simm.s32 @!p0 $0x1082;
	s9 =	sld [smem:$0x3FB7]  }
0x2f: {  	lr =	sadd.s32 s0, s3;
	s0 =	sld [smem:$0x3FAE]  }
0x30: {  	s3 =	sld [smem:$0x3FB1]  }
0x31: {  	[smem:$0x3FBA] =	sst s10  }
0x32: {  	s10 =	sld [smem:$0x3FB8];
	_ =	sdelay $0x3  }
0x33: {  	p0 =	seq.s32 s10, $0x1;
	s10 =	sld [smem:$0x3FBA];
	_ =	sdelay $0x3  }
0x34: {  	[smem:$0x3FBA] =	sst s10  }
0x35: {  	s10 =	sld [smem:$0x3FB9];
	_ =	sdelay $0x3  }
0x36: {  	p1 =	seq.s32 s10, $0x1;
	s10 =	sld [smem:$0x3FBA];
	_ =	sdelay $0x3  }
0x37: {  	[smem:$0x3FBA] =	sst s10  }
0x38: {  	s10 =	sld [smem:$0x3FBB]  }
0x39: {  	_ = 	snop;
	(pc) =	sbr.ind lr, $3  }
0x3a: {  	_ = 	snop  }
0x3b: {  	_ = 	snop  }
0x3c: {  	p2 =	seq.s32 s10, $0x1;
	s10 =	sld [smem:$0x3FBA]  }
0x3d: {  	_ =	shalt  }
0x3e: {  	_ =	shalt  }
0x3f: {  	_ =	shalt  }
0x40: {  	_ =	shalt  }
0x41: {  	_ =	shalt  }
0x42: {  	_ =	shalt  }
0x43: {  	_ =	shalt  }
0x44: {  	_ =	shalt  }
0x45: {  	_ =	shalt  }
0x46: {  	_ =	shalt  }
0x47: {  	_ =	shalt  }
0x48: {  	_ =	shalt  }
0x49: {  	_ =	shalt  }
0x4a: {  	_ =	shalt  }
0x4b: {  	_ =	shalt  }
0x4c: {  	_ =	shalt  }
0x4d: {  	_ =	shalt  }
0x4e: {  	_ =	shalt  }
0x4f: {  	_ =	shalt  }
0x50: {  	_ =	shalt  }
0x51: {  	_ =	shalt  }
0x52: {  	_ =	shalt  }
0x53: {  	_ =	shalt  }
0x54: {  	_ =	shalt  }
0x55: {  	_ =	shalt  }
0x56: {  	_ =	shalt  }
0x57: {  	_ =	shalt  }
0x58: {  	_ =	shalt  }
0x59: {  	_ =	shalt  }
0x5a: {  	_ =	shalt  }
0x5b: {  	_ =	shalt  }
0x5c: {  	_ =	shalt  }
0x5d: {  	_ =	shalt  }
0x5e: {  	_ =	shalt  }
0x5f: {  	_ =	shalt  }
0x60: {  	_ =	shalt  }
0x61: {  	_ =	shalt  }
0x62: {  	_ =	shalt  }
0x63: {  	_ =	shalt  }
0x64: {  	_ =	shalt  }
0x65: {  	_ =	shalt  }
0x66: {  	_ =	shalt  }
0x67: {  	_ =	shalt  }
0x68: {  	_ =	shalt  }
0x69: {  	_ =	shalt  }
0x6a: {  	_ =	shalt  }
0x6b: {  	_ =	shalt  }
0x6c: {  	_ =	shalt  }
0x6d: {  	_ =	shalt  }
0x6e: {  	_ =	shalt  }
0x6f: {  	_ =	shalt  }
0x70: {  	_ =	shalt  }
0x71: {  	_ =	shalt  }
0x72: {  	_ =	shalt  }
0x73: {  	_ =	shalt  }
0x74: {  	_ =	shalt  }
0x75: {  	_ =	shalt  }
0x76: {  	_ =	shalt  }
0x77: {  	_ =	shalt  }
0x78: {  	_ =	shalt  }
0x79: {  	_ =	shalt  }
0x7a: {  	_ =	shalt  }
0x7b: {  	_ =	shalt  }
0x7c: {  	_ =	shalt  }
0x7d: {  	_ =	shalt  }
0x7e: {  	_ =	shalt  }
0x7f: {  	_ =	shalt  }
0x80: {  	_ =	shalt  }
0x81: {  	_ =	shalt  }
0x82: {  	_ =	shalt  }
0x83: {  	_ =	shalt  }
0x84: {  	_ =	shalt  }
0x85: {  	_ =	shalt  }
0x86: {  	_ =	shalt  }
0x87: {  	_ =	shalt  }
.Lfunc_end0:
.L_simem_size_0:
called_computation_lowered:
.L_overlay_start_0:
0x88: {  	s2 =	sld [smem:$0x3FD9]  }
0x89: {  	s3 =	sld [smem:$0x3FFE];
	_ =	sdelay $0x1  }
0x8a: {  	s1 =	srdreg.scid  }
0x8b: {  	s0 =	sand.u32 $0x1, s1  }
0x8c: {  	s14 =	sshll.u32 s0, $0xA;
	s2 =	sadd.s32 s3, s2  }
0x8d: {  	s2 =	sadd.s32 s2, s14  }
0x8e: {  	[smem:$0x3FC6] =	sst s2  }
0x8f: {  	_ = 	snop  }
0x90: {  	s2 =	sld [smem:$0x3FD0];
	_ =	sdelay $0x2  }
0x91: {  	s15 =	simm.s32 $0xA;
	s4 =	simm.s32 $0x10  }
0x92: {  	[smem:s4], [sflag:s15] =	dma.local [hbm:s2], $0x1  }
0x93: {  	_ =	swait.eq [sflag:s15], $0x1  }
0x94: {  	[sflag:s15] =	ssyncset.done $0x0  }
0x95: {  	[sflag:s15] =	ssyncadd.s32 $0xFFFFFFFF  }
0x96: {  	s16 =	sld [smem:$0x10];
	(tm) =	ssettm $0x1  }
0x97: {  	s17 =	sld [smem:$0x3FFB];
	_ =	sdelay $0x3  }
0x98: {  	_ =	strace s17  }
0x99: {  	s3 =	sld [smem:$0x3FFC];
	_ =	sdelay $0x3  }
0x9a: {  	_ =	strace s3  }
0x9b: {  	s3 =	sld [smem:$0x3FFD];
	_ =	sdelay $0x3  }
0x9c: {  	_ =	strace s3  }
0x9d: {  	_ =	strace $0x8FFFFFFF  }
0x9e: {  	s18 =	sld [smem:$0x3FDB];
	_ =	sdelay $0x1  }
0x9f: {  	s19 =	simm.s32 $_scs_section_size  }
0xa0: {  	s5 =	simm.s32 $_size__tile_overlayer_lowered;
	s6 =	simm.s32 $_tile_overlayer_lowered  }
0xa1: {  	s22 =	simm.s32 $0x1BFF;
	s21 =	sshll.u32 s6, $0x1;
	s3 =	sadd.s32 s19, s18  }
0xa2: {  	s7 =	simm.s32 $0x0;
	s20 =	sshll.u32 s5, $0x1;
	s5 =	sadd.s32 s21, s3  }
0xa3: {  	[timem:s7], [sflag:s22] =	dma.local [hbm:s5], s20  }
0xa4: {  	_ =	swait.ge [sflag:s22], s20  }
0xa5: {  	s4 =	ssub.s32 $0x0, s20;
	[sflag:s22] =	ssyncset.done $0x0  }
0xa6: {  	[sflag:s22] =	ssyncadd.s32 s4;
	_ =	sdelay $0x1  }
0xa7: {  	s23 =	simm.s32 $0x1B8B  }
0xa8: {  	_ =	swait.ge [sflag:s23], $0x1  }
0xa9: {  	[sflag:s23] =	ssyncset.done $0x0  }
0xaa: {  	s25 =	simm.s32 $0x1B8E;
	s24 =	sld [smem:$0x3FFE];
	[sflag:s23] =	ssyncadd.s32 $0xFFFFFFFF  }
0xab: {  	s26 =	simm.s32 $execute0_lowered;
	[smem:$0x3FD2] =	sst s25  }
0xac: {  	s5 =	sshll.u32 s26, $0x1;
	_ =	strace $0x80000046;
	[dreg:$0x1] =	wrdreg $0xFFFFFFFF  }
0xad: {  	s28 =	simm.s32 $_size_execute0_lowered;
	s3 =	sadd.s32 s3, s5;
	[dreg:$0x0] =	wrdreg $0x0  }
0xae: {  	s5 =	sshll.u32 s28, $0x1;
	[dreg:$0x2] =	wrdreg s3  }
0xaf: {  	[dreg:$0x3] =	wrdreg s5  }
0xb0: {  	[dreg:$0x4] =	wrdreg $0xC0  }
0xb1: {  	_ =	task [dreg:s7], $0x5FFFF  }
0xb2: {  	[dreg:$0x1] =	wrdreg $0xFFFFFFFF  }
0xb3: {  	[dreg:$0x0] =	wrdreg $0x60  }
0xb4: {  	[dreg:$0x2] =	wrdreg s24  }
0xb5: {  	[dreg:$0x3] =	wrdreg s16  }
0xb6: {  	[dreg:$0x4] =	wrdreg $0x9  }
0xb7: {  	_ =	task.clear_ibuf [dreg:s7], $0x5FFFF;
	_ =	strace $0x90000046  }
0xb8: {  	s29 =	simm.s32 $0x9;
	_ =	strace $0x80000048  }
0xb9: {  	_ =	swait.ge [sflag:s29], $0x1  }
0xba: {  	[sflag:s29] =	ssyncadd.s32 $0xFFFFFFFF  }
0xbb: {  	_ =	strace $0x90000048  }
0xbc: {  	_ =	sfence  }
0xbd: {  	s30 =	sld [smem:$0x0];
	_ =	sdelay $0x2  }
0xbe: {  	s31 =	sshll.u32 s1, $0xD;
	s1 =	sshrl.u32 s1, $0x2  }
0xbf: {  	s3 =	sand.u32 $0x4000, s31;
	s1 =	sadd.s32 s1, s30  }
0xc0: {  	s0 =	sor.u32 s3, s0;
	s1 =	sshll.u32 s1, $0x11  }
0xc1: {  	s0 =	sor.u32 s1, s0  }
0xc2: {  	s0 =	sadd.s32 $0x8F2B, s0  }
0xc3: {  	[sflag:s0] =	ssyncadd.remote.s32 $0x1  }
0xc4: {  	_ =	sfence.sel $0xFFFF  }
0xc5: {  	[dreg:$0x0] =	wrdreg $0xFFFFFFFF;
	(pc) =	sbr.abs _section_cstart, $3  }
0xc6: {  	[dreg:$0x1] =	wrdreg $0xFFFFFFFF  }
0xc7: {  	_ =	task.clear_ibuf [dreg:s7], $0x2FFFF;
	_ =	strace $0x9FFFFFFF  }
0xc8: {  	(tm) =	ssettm $0x7FFFFFFF  }
0xc9: {  	_ =	shalt  }
tec
execute0_lowered:
.L_overlay_start_1:
0x0: {  	(tag) =	ssettag $0x1  }
0x1: {  	s1 =	srdreg.scid  }
0x2: {  	s0 =	stileid.u32;
	s23 =	sand.u32 $0x1, s1  }
0x3: {  	s5 =	rddreg [dreg:$0x0];
	s31 =	sshll.u32 s0, $0xB;
	s2 =	sshll.u32 s23, $0xA  }
0x4: {  	s22 =	rddreg [dreg:$0x1];
	s24 =	sor.u32 s2, s31  }
0x5: {  	s1 =	rddreg [dreg:$0x2];
	s2 =	simm.s32 $0x0;
	s3 =	sshrl.u32 s24, $0x3  }
0x6: {  	[smem:$0x7FF] =	sst s2;
	s3 =	sadd.s32 s3, s5  }
0x7: {  	_ =	strace $0x80000047;
	s4 =	sadd.s32 $0x10A00, s3;
	s3 =	simm.s32 $0x2  }
0x8: {  	[tilespmem:s2], [sflag:$0x2] =	stream.linear.gather [hbm4b:s4+s2], $0x400, $0x38;
	[tilespmem:$0x10400] =	vst v63  }
0x9: {  	_ =	swait.ge [sflag:s3], $0x400  }
0xa: {  	s6 =	simm.s32 $0x80;
	[sflag:s3] =	ssyncset.done $0x0  }
0xb: {  	s7 =	simm.s32 $0x400;
	s5 =	sadd.s32 $0xA00, s5;
	[sflag:s3] =	ssyncadd.s32 $0xFFFFFC00  }
0xc: {  	[tilespmem:s7], [sflag:$0x1] =	stream.indirect.gather [hbm4b:s5+s6], $0x40, s2, s6, $0xb8;
	[tilespmem:$0x10400] =	vst v63  }
0xd: {  	s8 =	simm.s32 $0x2400  }
0xe: {  	[tilespmem:s8], [sflag:$0x1] =	stream.indirect.gather [hbm4b:s5+s6], $0x40, s6, s6, $0xb8;
	[tilespmem:$0x10400] =	vst v63  }
0xf: {  	s9 =	simm.s32 $0x100;
	s10 =	simm.s32 $0x4400  }
0x10: {  	[tilespmem:s10], [sflag:$0x1] =	stream.indirect.gather [hbm4b:s5+s6], $0x40, s9, s6, $0xb8;
	[tilespmem:$0x10400] =	vst v63  }
0x11: {  	s11 =	simm.s32 $0x180;
	s12 =	simm.s32 $0x6400  }
0x12: {  	[tilespmem:s12], [sflag:$0x1] =	stream.indirect.gather [hbm4b:s5+s6], $0x40, s11, s6, $0xb8;
	[tilespmem:$0x10400] =	vst v63  }
0x13: {  	s13 =	simm.s32 $0x200;
	s14 =	simm.s32 $0x8400  }
0x14: {  	[tilespmem:s14], [sflag:$0x1] =	stream.indirect.gather [hbm4b:s5+s6], $0x40, s13, s6, $0xb8;
	[tilespmem:$0x10400] =	vst v63  }
0x15: {  	s15 =	simm.s32 $0x280;
	s16 =	simm.s32 $0xA400  }
0x16: {  	[tilespmem:s16], [sflag:$0x1] =	stream.indirect.gather [hbm4b:s5+s6], $0x40, s15, s6, $0xb8;
	[tilespmem:$0x10400] =	vst v63  }
0x17: {  	s17 =	simm.s32 $0x300;
	s18 =	simm.s32 $0xC400  }
0x18: {  	[tilespmem:s18], [sflag:$0x1] =	stream.indirect.gather [hbm4b:s5+s6], $0x40, s17, s6, $0xb8;
	[tilespmem:$0x10400] =	vst v63  }
0x19: {  	s19 =	simm.s32 $0x380;
	s20 =	simm.s32 $0xE400;
	s21 =	simm.s32 $0x1  }
0x1a: {  	[tilespmem:s20], [sflag:$0x1] =	stream.indirect.gather [hbm4b:s5+s6], $0x40, s19, s6, $0xb8;
	[tilespmem:$0x10400] =	vst v63  }
0x1b: {  	_ =	swait.ge [sflag:s21], $0x2000  }
0x1c: {  	[sflag:s21] =	ssyncset.done $0x0  }
0x1d: {  	[sflag:s21] =	ssyncadd.s32 $0xFFFFE000  }
0x1e: {  	_ =	swait.ge [sflag:s21], $0x2000  }
0x1f: {  	[sflag:s21] =	ssyncset.done $0x0  }
0x20: {  	[sflag:s21] =	ssyncadd.s32 $0xFFFFE000  }
0x21: {  	_ =	swait.ge [sflag:s21], $0x2000  }
0x22: {  	[sflag:s21] =	ssyncset.done $0x0  }
0x23: {  	[sflag:s21] =	ssyncadd.s32 $0xFFFFE000  }
0x24: {  	_ =	swait.ge [sflag:s21], $0x2000  }
0x25: {  	[sflag:s21] =	ssyncset.done $0x0  }
0x26: {  	[sflag:s21] =	ssyncadd.s32 $0xFFFFE000  }
0x27: {  	_ =	swait.ge [sflag:s21], $0x2000  }
0x28: {  	[sflag:s21] =	ssyncset.done $0x0  }
0x29: {  	[sflag:s21] =	ssyncadd.s32 $0xFFFFE000  }
0x2a: {  	_ =	swait.ge [sflag:s21], $0x2000  }
0x2b: {  	[sflag:s21] =	ssyncset.done $0x0  }
0x2c: {  	s23 =	ssub.s32 $0x2, s23;
	[sflag:s21] =	ssyncadd.s32 $0xFFFFE000  }
0x2d: {  	s25 =	sshrl.u32 s23, $0x1;
	_ =	swait.ge [sflag:s21], $0x2000  }
0x2e: {  	s23 =	ssub.s32 s23, s25;
	[sflag:s21] =	ssyncset.done $0x0  }
0x2f: {  	s23 =	smax.u32 s23, $0x1;
	[sflag:s21] =	ssyncadd.s32 $0xFFFFE000  }
0x30: {  	p0 =	sne.s32 s23, $0x1;
	_ =	swait.ge [sflag:s21], $0x2000  }
.Ltmp0:
0x31: {  	s24 =	sshll.u32 s24, $0x3;
	[sflag:s21] =	ssyncset.done $0x0;
	(pc) =	sbr.rel @!p0 .LBB2_2-.Ltmp0, $4  }
0x32: {  	s22 =	sadd.s32 s22, s24;
	[sflag:s21] =	ssyncadd.s32 $0xFFFFE000  }
0x33: {  	[hbm4b:s22+s2] =	stream.linear.scatter [tilespmem:s7], [sflag:$0x2], $0x10000, $0x38;
	[tilespmem:$0x10400] =	vst v63  }
0x34: {  	_ =	swait.ge [sflag:s3], $0x10000  }
0x35: {  	s23 =	sadd.s32 $0xFFFFFFFF, s23;
	[sflag:s3] =	ssyncset.done $0x0  }
.LBB2_1:
0x36: {  	p0 =	sne.s32 s23, $0x1;
	s23 =	sadd.s32 $0xFFFFFFFF, s23;
	[sflag:s3] =	ssyncadd.s32 $0xFFFF0000  }
0x37: {  	[tilespmem:s2], [sflag:$0x2] =	stream.linear.gather [hbm4b:s4+s2], $0x400, $0x38;
	[tilespmem:$0x10400] =	vst v63  }
0x38: {  	_ =	swait.ge [sflag:s3], $0x400  }
0x39: {  	[sflag:s3] =	ssyncset.done $0x0  }
0x3a: {  	[sflag:s3] =	ssyncadd.s32 $0xFFFFFC00  }
0x3b: {  	[tilespmem:s7], [sflag:$0x1] =	stream.indirect.gather [hbm4b:s5+s6], $0x40, s2, s6, $0xb8;
	[tilespmem:$0x10400] =	vst v63  }
0x3c: {  	_ = 	snop  }
0x3d: {  	[tilespmem:s8], [sflag:$0x1] =	stream.indirect.gather [hbm4b:s5+s6], $0x40, s6, s6, $0xb8;
	[tilespmem:$0x10400] =	vst v63  }
0x3e: {  	_ = 	snop  }
0x3f: {  	[tilespmem:s10], [sflag:$0x1] =	stream.indirect.gather [hbm4b:s5+s6], $0x40, s9, s6, $0xb8;
	[tilespmem:$0x10400] =	vst v63  }
0x40: {  	_ = 	snop  }
0x41: {  	[tilespmem:s12], [sflag:$0x1] =	stream.indirect.gather [hbm4b:s5+s6], $0x40, s11, s6, $0xb8;
	[tilespmem:$0x10400] =	vst v63  }
0x42: {  	_ = 	snop  }
0x43: {  	[tilespmem:s14], [sflag:$0x1] =	stream.indirect.gather [hbm4b:s5+s6], $0x40, s13, s6, $0xb8;
	[tilespmem:$0x10400] =	vst v63  }
0x44: {  	_ = 	snop  }
0x45: {  	[tilespmem:s16], [sflag:$0x1] =	stream.indirect.gather [hbm4b:s5+s6], $0x40, s15, s6, $0xb8;
	[tilespmem:$0x10400] =	vst v63  }
0x46: {  	_ = 	snop  }
0x47: {  	[tilespmem:s18], [sflag:$0x1] =	stream.indirect.gather [hbm4b:s5+s6], $0x40, s17, s6, $0xb8;
	[tilespmem:$0x10400] =	vst v63  }
0x48: {  	_ = 	snop  }
0x49: {  	[tilespmem:s20], [sflag:$0x1] =	stream.indirect.gather [hbm4b:s5+s6], $0x40, s19, s6, $0xb8;
	[tilespmem:$0x10400] =	vst v63  }
0x4a: {  	_ =	swait.ge [sflag:s21], $0x2000  }
0x4b: {  	[sflag:s21] =	ssyncset.done $0x0  }
0x4c: {  	[sflag:s21] =	ssyncadd.s32 $0xFFFFE000  }
0x4d: {  	_ =	swait.ge [sflag:s21], $0x2000  }
0x4e: {  	[sflag:s21] =	ssyncset.done $0x0  }
0x4f: {  	[sflag:s21] =	ssyncadd.s32 $0xFFFFE000  }
0x50: {  	_ =	swait.ge [sflag:s21], $0x2000  }
0x51: {  	[sflag:s21] =	ssyncset.done $0x0  }
0x52: {  	[sflag:s21] =	ssyncadd.s32 $0xFFFFE000  }
0x53: {  	_ =	swait.ge [sflag:s21], $0x2000  }
0x54: {  	[sflag:s21] =	ssyncset.done $0x0  }
0x55: {  	[sflag:s21] =	ssyncadd.s32 $0xFFFFE000  }
0x56: {  	_ =	swait.ge [sflag:s21], $0x2000  }
0x57: {  	[sflag:s21] =	ssyncset.done $0x0  }
0x58: {  	[sflag:s21] =	ssyncadd.s32 $0xFFFFE000  }
0x59: {  	_ =	swait.ge [sflag:s21], $0x2000  }
0x5a: {  	[sflag:s21] =	ssyncset.done $0x0  }
0x5b: {  	[sflag:s21] =	ssyncadd.s32 $0xFFFFE000  }
0x5c: {  	_ =	swait.ge [sflag:s21], $0x2000  }
0x5d: {  	[sflag:s21] =	ssyncset.done $0x0  }
0x5e: {  	[sflag:s21] =	ssyncadd.s32 $0xFFFFE000  }
0x5f: {  	_ =	swait.ge [sflag:s21], $0x2000  }
.Ltmp1:
0x60: {  	[sflag:s21] =	ssyncset.done $0x0;
	(pc) =	sbr.rel @p0 .LBB2_1-.Ltmp1, $4  }
0x61: {  	[sflag:s21] =	ssyncadd.s32 $0xFFFFE000  }
0x62: {  	[hbm4b:s22+s2] =	stream.linear.scatter [tilespmem:s7], [sflag:$0x2], $0x10000, $0x38;
	[tilespmem:$0x10400] =	vst v63  }
0x63: {  	_ =	swait.ge [sflag:s3], $0x10000  }
0x64: {  	[sflag:s3] =	ssyncset.done $0x0  }
.LBB2_2:
0x65: {  	[sflag:s3] =	ssyncadd.s32 $0xFFFF0000  }
0x66: {  	_ =	sfence.sel $0x180000  }
0x67: {  	[bflag:$0x0] =	sbarrier.arrive $0xFFFF  }
0x68: {  	p0 =	sne.s32 s0, $0x0;
	_ =	strace $0x90000047  }
0x69: {  	s0 =	sadd.s32 @!p0 $0x100000, s1;
	[bflag:$0x2] =	sbarrier.arrive $0xFFFF  }
0x6a: {  	[sflag:s0] =	ssyncadd.tile.s32 @!p0 $0x1;
	_ =	shalt  }
.Lfunc_end2:
_tile_overlayer_lowered:
.L_overlay_start_2:
0x6b: {  	(tag) =	ssettag $0x2  }
0x6c: {  	s0 =	rddreg [dreg:$0x0];
	s2 =	stileid.u32  }
0x6d: {  	s1 =	rddreg [dreg:$0x1];
	p0 =	sne.s32 s2, $0x0  }
0x6e: {  	s3 =	rddreg [dreg:$0x2];
	[bflag:$0x3] =	sbarrier.arrive $0xFFFF;
	s2 =	simm.s32 @!p0 $0x1C02  }
0x6f: {  	[timem:s3], [sflag:s2] =	dma.local @!p0 [hbm:s0], s1  }
0x70: {  	s0 =	simm.s32 @!p0 $0x2  }
0x71: {  	_ =	swait.ge @!p0 [sflag:s0], s1  }
0x72: {  	s1 =	ssub.s32 @!p0 $0x0, s1;
	[sflag:s0] =	ssyncset.done @!p0 $0x0  }
0x73: {  	[sflag:s0] =	ssyncadd.s32 @!p0 s1  }
0x74: {  	[bflag:$0x3] =	sbarrier.arrive $0xFFFF  }
0x75: {  	_ =	shalt  }

</sc_bundles>
